<compile_context>
chip_gen: v7x
topology: tpu7x:2x2x1
jax: 0.10.2.dev20260603
libtpu: 0.0.44.dev20260713+nightly
codegen_flags: <defaults>
</compile_context>

<pallas_src>
import functools

import jax
import jax.numpy as jnp
from jax import lax
from jax.experimental import pallas as pl
from jax.experimental.pallas import tpu as pltpu
from jax.experimental.pallas import tpu_sc as plsc

N = 10000
D = 128
HD = D // 2
B = 64
NC = 2
NS = 16
NW = NC * NS
CHUNK = 128
N_ACC = 10112
ZROWS = N_ACC // NS

_HI = jax.lax.Precision.HIGHEST


@functools.cache
def _mesh():
    return plsc.VectorSubcoreMesh(core_axis_name="c", subcore_axis_name="s",
                                  num_cores=NC, num_subcores=NS)



NBUF = 4


def _sc_aggregate_body(mode_hbm, u_hbm, src_hbm, dst_hbm, zeros_hbm,
                       ones_hbm, out_hbm, mode_v, src_v, dst_v,
                       ones_v, bufs, acc, gsems, ssems):
    c = lax.axis_index("c")
    s = lax.axis_index("s")
    wid = s * NC + c
    cpt = dst_v.shape[0]
    pltpu.sync_copy(mode_hbm, mode_v)
    pltpu.sync_copy(src_hbm.at[wid], src_v)
    pltpu.sync_copy(dst_hbm.at[wid], dst_v)
    deg_mode = mode_v[...][0] == 1

    @pl.when(deg_mode)
    def _():
        pltpu.sync_copy(ones_hbm, ones_v)
        pltpu.sync_copy(zeros_hbm, acc.at[pl.ds(s * ZROWS, ZROWS)])
        plsc.subcore_barrier()

        def dbody(j, carry):
            pltpu.sync_copy(ones_v, acc.at[dst_v.at[j]], add=True)
            return carry

        lax.fori_loop(0, cpt, dbody, 0)
        plsc.subcore_barrier()
        pltpu.sync_copy(acc.at[pl.ds(s * ZROWS, ZROWS)],
                        out_hbm.at[c, pl.ds(s * ZROWS, ZROWS), pl.ds(0, HD)])

    @pl.when(jnp.logical_not(deg_mode))
    def _():
        for k in range(2):
            uk = u_hbm.at[k]
            pltpu.sync_copy(zeros_hbm, acc.at[pl.ds(s * ZROWS, ZROWS)])
            plsc.subcore_barrier()

            for b in range(NBUF - 1):
                pltpu.async_copy(uk.at[src_v.at[b]], bufs[b], gsems[b])

            def body(j, carry):
                jm = lax.rem(j, NBUF)
                for b in range(NBUF):
                    @pl.when(jm == b)
                    def _(b=b, uk=uk):
                        pltpu.make_async_copy(
                            uk.at[src_v.at[0]], bufs[b], gsems[b]).wait()
                        pltpu.async_copy(bufs[b], acc.at[dst_v.at[j]],
                                         ssems[b], add=True)

                        @pl.when(j + NBUF - 1 < cpt)
                        def _():
                            nb = (b + NBUF - 1) % NBUF

                            @pl.when(j >= 1)
                            def _():
                                pltpu.make_async_copy(
                                    bufs[nb], acc.at[dst_v.at[0]],
                                    ssems[nb]).wait()

                            pltpu.async_copy(uk.at[src_v.at[j + NBUF - 1]],
                                             bufs[nb], gsems[nb])
                return carry

            lax.fori_loop(0, cpt, body, 0)
            for b in range(NBUF):
                pltpu.make_async_copy(bufs[b], acc.at[dst_v.at[0]],
                                      ssems[b]).wait()
            plsc.subcore_barrier()
            pltpu.sync_copy(acc.at[pl.ds(s * ZROWS, ZROWS)],
                            out_hbm.at[c, pl.ds(s * ZROWS, ZROWS),
                                       pl.ds(k * HD, HD)])


def _make_sc_aggregate(cpt):
    return functools.partial(
        pl.kernel, _sc_aggregate_body,
        out_type=jax.ShapeDtypeStruct((NC, N_ACC, D), jnp.float32),
        mesh=_mesh(),
        scratch_types=[
            pltpu.VMEM((16,), jnp.int32),
            pltpu.VMEM((cpt, CHUNK), jnp.int32),
            pltpu.VMEM((cpt, CHUNK), jnp.int32),
            pltpu.VMEM((CHUNK, HD), jnp.float32),
            [pltpu.VMEM((CHUNK, HD), jnp.float32) for _ in range(NBUF)],
            pltpu.VMEM_SHARED((N_ACC, HD), jnp.float32),
            [pltpu.SemaphoreType.DMA for _ in range(NBUF)],
            [pltpu.SemaphoreType.DMA for _ in range(NBUF)],
        ],
        compiler_params=pltpu.CompilerParams(use_tc_tiling_on_sc=False),
    )()



RCH = 2000
NBLK = N // RCH


def _tc_prep_body(accp_ref, x_ref, w_ref, dinv_ref, u_ref):
    deg = accp_ref[0, :, 0:1] + accp_ref[1, :, 0:1] + 1.0
    dinv = jnp.where(deg > 0, 1.0 / jnp.sqrt(deg), 0.0)
    dinv_ref[...] = dinv
    xw = jnp.dot(x_ref[...], w_ref[...], preferred_element_type=jnp.float32)
    u = xw * dinv
    u_ref[0] = u[:, 0:HD]
    u_ref[1] = u[:, HD:D]


_tc_prep = pl.pallas_call(
    _tc_prep_body,
    grid=(NBLK,),
    in_specs=[
        pl.BlockSpec((2, RCH, D), lambda i: (0, i, 0)),
        pl.BlockSpec((RCH, D), lambda i: (i, 0)),
        pl.BlockSpec((D, D), lambda i: (0, 0)),
    ],
    out_specs=[
        pl.BlockSpec((RCH, 1), lambda i: (i, 0)),
        pl.BlockSpec((2, RCH, HD), lambda i: (0, i, 0)),
    ],
    out_shape=[jax.ShapeDtypeStruct((N, 1), jnp.float32),
               jax.ShapeDtypeStruct((2, N, HD), jnp.float32)],
)


def _zblock(accp_ref, u_ref, dinv_ref, b_ref):
    dinv = dinv_ref[...]
    acs = accp_ref[0] + accp_ref[1]
    u = jnp.concatenate([u_ref[0], u_ref[1]], axis=1)
    return (acs + u) * dinv + b_ref[...]


def _tc_layer_body(accp_ref, u_ref, dinv_ref, wn_ref, b_ref, g_ref, be_ref,
                   h_ref, un_ref, s1_ref, s2_ref):
    i = pl.program_id(0)

    @pl.when(i == 0)
    def _():
        s1_ref[...] = jnp.zeros_like(s1_ref)
        s2_ref[...] = jnp.zeros_like(s2_ref)

    z = _zblock(accp_ref, u_ref, dinv_ref, b_ref)

    @pl.when(i < NBLK)
    def _():
        mb = jnp.mean(z, axis=0, keepdims=True)
        zb = z - mb
        m2b = jnp.sum(zb * zb, axis=0, keepdims=True)
        n_old = (i * RCH).astype(jnp.float32)
        n_new = n_old + RCH
        delta = mb - s1_ref[...]
        s1_ref[...] += delta * (RCH / n_new)
        s2_ref[...] += m2b + delta * delta * (n_old * RCH / n_new)

    @pl.when(i >= NBLK)
    def _():
        m = s1_ref[...]
        var = s2_ref[...] / N
        rstd = 1.0 / jnp.sqrt(var + 1e-5)
        h = jnp.maximum((z - m) * rstd * g_ref[...] + be_ref[...], 0.0)
        h_ref[...] = h
        hw = jnp.dot(h, wn_ref[...], preferred_element_type=jnp.float32)
        un = hw * dinv_ref[...]
        un_ref[0] = un[:, 0:HD]
        un_ref[1] = un[:, HD:D]


def _blk(i):
    return lax.rem(i, NBLK)


def _oblk(i):
    return jnp.maximum(i - NBLK, 0)


_tc_layer = pl.pallas_call(
    _tc_layer_body,
    grid=(2 * NBLK,),
    in_specs=[
        pl.BlockSpec((2, RCH, D), lambda i: (0, _blk(i), 0)),
        pl.BlockSpec((2, RCH, HD), lambda i: (0, _blk(i), 0)),
        pl.BlockSpec((RCH, 1), lambda i: (_blk(i), 0)),
        pl.BlockSpec((D, D), lambda i: (0, 0)),
        pl.BlockSpec((1, D), lambda i: (0, 0)),
        pl.BlockSpec((1, D), lambda i: (0, 0)),
        pl.BlockSpec((1, D), lambda i: (0, 0)),
    ],
    out_specs=[
        pl.BlockSpec((RCH, D), lambda i: (_oblk(i), 0)),
        pl.BlockSpec((2, RCH, HD), lambda i: (0, _oblk(i), 0)),
    ],
    out_shape=[jax.ShapeDtypeStruct((N, D), jnp.float32),
               jax.ShapeDtypeStruct((2, N, HD), jnp.float32)],
    scratch_shapes=[pltpu.VMEM((1, D), jnp.float32),
                    pltpu.VMEM((1, D), jnp.float32)],
)


def _tc_head_body(h_ref, batch_ref, gf_ref, w0_ref, b0_ref, w1_ref, b1_ref,
                  w2t_ref, b2_ref, out_ref):
    rows = lax.broadcasted_iota(jnp.int32, (B, N), 0)
    oh = (batch_ref[...] == rows).astype(jnp.float32)
    sums = jnp.dot(oh, h_ref[...], preferred_element_type=jnp.float32,
                   precision=_HI)
    cnt = jnp.sum(oh, axis=1, keepdims=True)
    pooled = sums / jnp.maximum(cnt, 1.0)
    z = jnp.dot(pooled, w0_ref[0:D, :], preferred_element_type=jnp.float32)
    z = z + jnp.dot(gf_ref[...], w0_ref[D:, :],
                    preferred_element_type=jnp.float32)
    z = jnp.maximum(z + b0_ref[...], 0.0)
    z = jnp.maximum(jnp.dot(z, w1_ref[...],
                            preferred_element_type=jnp.float32)
                    + b1_ref[...], 0.0)
    out_ref[...] = jnp.sum(z * w2t_ref[...], axis=1, keepdims=True) + b2_ref[...]


_tc_head = pl.pallas_call(
    _tc_head_body,
    out_shape=jax.ShapeDtypeStruct((B, 1), jnp.float32),
)



@jax.jit
def kernel(x, edge_index, batch, global_feats,
           W0, b0, g0, be0, W1, b1, g1, be1, W2, b2, g2, be2,
           mW0, mb0, mW1, mb1, mW2, mb2):
    src = edge_index[0]
    dst = edge_index[1]
    e = src.shape[0]
    cpt = -(-e // (NW * CHUNK))
    cpt = -(-cpt // NBUF) * NBUF
    e_pad = NW * cpt * CHUNK
    pad = e_pad - e
    pad_ar = jnp.arange(pad, dtype=jnp.int32)
    src_p = jnp.concatenate([src, pad_ar % N]).reshape(NW, cpt, CHUNK)
    dst_p = jnp.concatenate(
        [dst, N + pad_ar % (N_ACC - N)]).reshape(NW, cpt, CHUNK)

    zeros_h = jnp.zeros((ZROWS, HD), jnp.float32)
    ones_h = jnp.ones((CHUNK, HD), jnp.float32)

    agg = _make_sc_aggregate(cpt)
    Ws = jnp.stack([W0, W1, W2, W2])
    bs = jnp.stack([b0, b0, b1, b2]).reshape(4, 1, -1)
    gs = jnp.stack([g0, g0, g1, g2]).reshape(4, 1, -1)
    bes = jnp.stack([be0, be0, be1, be2]).reshape(4, 1, -1)
    idx = jnp.arange(4, dtype=jnp.int32)
    modes = jnp.concatenate([jnp.ones((1, 16), jnp.int32),
                             jnp.zeros((3, 16), jnp.int32)])

    def step(carry, wgts):
        ui, hi, dinvi = carry
        i, mode, W, b, g, be = wgts
        accp = agg(mode, ui, src_p, dst_p, zeros_h, ones_h)

        def first(_):
            dinv, u0 = _tc_prep(accp, x, W)
            return (u0, hi, dinv)

        def rest(_):
            hn, un = _tc_layer(accp, ui, dinvi, W, b, g, be)
            return (un, hn, dinvi)

        return lax.cond(i == 0, first, rest, None), None

    carry0 = (jnp.ones((2, N, HD), jnp.float32),
              jnp.zeros((N, D), jnp.float32),
              jnp.zeros((N, 1), jnp.float32))
    (_, h, _), _ = lax.scan(step, carry0, (idx, modes, Ws, bs, gs, bes))

    out = _tc_head(h, batch.reshape(1, N), global_feats,
                   mW0, mb0.reshape(1, -1), mW1, mb1.reshape(1, -1),
                   mW2.reshape(1, -1), mb2.reshape(1, 1))
    return out.reshape(-1)

# --- scband reference (transcript-rebuilt; emitter-appended) ---
"""Pipeline reference for scband-gnnwith-global-feats-52510270160896 (READ-ONLY COPY).

The authoritative reference and input builder live on the scoring server;
editing this copy changes nothing except your own understanding.
"""

import jax, jax.numpy as jnp
import numpy as np

N = 10000
E = 320000
D = 128
H = 128
G = 16
B = 64

def setup_inputs(seed: int = 0):
    key = jax.random.key(seed)
    ks = jax.random.split(key, 32)
    inp = {}
    inp["x"] = jax.random.normal(ks[0], (N, D), dtype=jnp.float32)
    inp["edge_index"] = jax.random.randint(ks[1], (2, E), 0, N, dtype=jnp.int32)
    inp["batch"] = jnp.sort(jax.random.randint(ks[2], (N,), 0, B, dtype=jnp.int32))
    inp["global_feats"] = jax.random.normal(ks[3], (B, G), dtype=jnp.float32)
    dims = [(D, H), (H, H), (H, H)]
    for i, (din, dout) in enumerate(dims):
        inp["W%d" % i] = jax.random.normal(ks[4 + i], (din, dout), dtype=jnp.float32) / np.sqrt(din)
        inp["b%d" % i] = jnp.zeros((dout,), dtype=jnp.float32)
        inp["g%d" % i] = jnp.ones((dout,), dtype=jnp.float32)
        inp["be%d" % i] = jnp.zeros((dout,), dtype=jnp.float32)
    mdims = [(H + G, 128), (128, 64), (64, 1)]
    for i, (din, dout) in enumerate(mdims):
        inp["mW%d" % i] = jax.random.normal(ks[8 + i], (din, dout), dtype=jnp.float32) / np.sqrt(din)
        inp["mb%d" % i] = jnp.zeros((dout,), dtype=jnp.float32)
    return inp

def _gcn(x, W, b, src, dst):
    h = x @ W
    loop = jnp.arange(N, dtype=src.dtype)
    s = jnp.concatenate([src, loop])
    d = jnp.concatenate([dst, loop])
    deg = jnp.zeros((N,), x.dtype).at[d].add(1.0)
    dinv = jnp.where(deg > 0, 1.0 / jnp.sqrt(deg), 0.0)
    norm = dinv[s] * dinv[d]
    out = jnp.zeros((N, W.shape[1]), x.dtype).at[d].add(h[s] * norm[:, None])
    return out + b

def _bn(x, g, be):
    m = jnp.mean(x, axis=0)
    v = jnp.var(x, axis=0)
    return (x - m) / jnp.sqrt(v + 1e-5) * g + be

def reference(x, edge_index, batch, global_feats, W0, b0, g0, be0, W1, b1, g1, be1, W2, b2, g2, be2, mW0, mb0, mW1, mb1, mW2, mb2):
    src, dst = edge_index[0], edge_index[1]
    h = x
    for W, b, g, be in ((W0, b0, g0, be0), (W1, b1, g1, be1), (W2, b2, g2, be2)):
        h = _gcn(h, W, b, src, dst)
        h = _bn(h, g, be)
        h = jax.nn.relu(h)
    sums = jax.ops.segment_sum(h, batch, num_segments=B)
    cnt = jax.ops.segment_sum(jnp.ones((N,), h.dtype), batch, num_segments=B)
    pooled = sums / jnp.maximum(cnt, 1.0)[:, None]
    z = jnp.concatenate([pooled, global_feats], axis=1)
    z = jax.nn.relu(z @ mW0 + mb0)
    z = jax.nn.relu(z @ mW1 + mb1)
    z = z @ mW2 + mb2
    return z.reshape(-1)

if __name__ == "__main__":
    import jax
    _d = setup_inputs()
    print(jax.jit(kernel)(*tuple(_d.values())))

</pallas_src>

<mosaic_0001>
#map = affine_map<(d0, d1) -> (0)>
#map1 = affine_map<(d0, d1) -> (0, 0, 0)>
#map2 = affine_map<(d0, d1) -> (0, 0)>
module attributes {stable_mosaic.version = 14 : i64} {
  func.func @_sc_aggregate_body(%arg0: i32, %arg1: i32, %arg2: memref<16xi32, #tpu.memory_space<hbm>>, %arg3: memref<2x10000x64xf32, #tpu.memory_space<hbm>>, %arg4: memref<32x80x128xi32, #tpu.memory_space<hbm>>, %arg5: memref<32x80x128xi32, #tpu.memory_space<hbm>>, %arg6: memref<632x64xf32, #tpu.memory_space<hbm>>, %arg7: memref<128x64xf32, #tpu.memory_space<hbm>>, %arg8: memref<2x10112x128xf32, #tpu.memory_space<hbm>>, %arg9: memref<16xi32, #tpu.memory_space<vmem>>, %arg10: memref<80x128xi32, #tpu.memory_space<vmem>>, %arg11: memref<80x128xi32, #tpu.memory_space<vmem>>, %arg12: memref<128x64xf32, #tpu.memory_space<vmem>>, %arg13: memref<128x64xf32, #tpu.memory_space<vmem>>, %arg14: memref<128x64xf32, #tpu.memory_space<vmem>>, %arg15: memref<128x64xf32, #tpu.memory_space<vmem>>, %arg16: memref<128x64xf32, #tpu.memory_space<vmem>>, %arg17: memref<10112x64xf32, #tpu.memory_space<vmem_shared>>, %arg18: memref<!tpu.dma_semaphore, #tpu.memory_space<semaphore_mem>>, %arg19: memref<!tpu.dma_semaphore, #tpu.memory_space<semaphore_mem>>, %arg20: memref<!tpu.dma_semaphore, #tpu.memory_space<semaphore_mem>>, %arg21: memref<!tpu.dma_semaphore, #tpu.memory_space<semaphore_mem>>, %arg22: memref<!tpu.dma_semaphore, #tpu.memory_space<semaphore_mem>>, %arg23: memref<!tpu.dma_semaphore, #tpu.memory_space<semaphore_mem>>, %arg24: memref<!tpu.dma_semaphore, #tpu.memory_space<semaphore_mem>>, %arg25: memref<!tpu.dma_semaphore, #tpu.memory_space<semaphore_mem>>) attributes {dimension_semantics = [#tpu.dimension_semantics<core_parallel>, #tpu.dimension_semantics<subcore_parallel>], iteration_bounds = array<i64: 2, 16>, scalar_prefetch = 0 : i64, scratch_operands = 17 : i64, tpu.core_type = #tpu.core_type<sc_vector_subcore>, window_params = [{transform_indices = #map}, {transform_indices = #map1}, {transform_indices = #map1}, {transform_indices = #map1}, {transform_indices = #map2}, {transform_indices = #map2}, {transform_indices = #map1}]} {
    %mul3A = arith.constant 2 : i32
    %mul3A_0 = arith.muli %arg1, %mul3A : i32
    %add3A = arith.addi %mul3A_0, %arg0 : i32
    "tpu.region"() ({
      %run_scoped3A = tpu.sem_alloc : memref<!tpu.dma_semaphore, #tpu.memory_space<semaphore_mem>>
      tpu.enqueue_dma source(%arg2 : memref<16xi32, #tpu.memory_space<hbm>>) target(%arg9 : memref<16xi32, #tpu.memory_space<vmem>>) target_semaphore(%run_scoped3A : memref<!tpu.dma_semaphore, #tpu.memory_space<semaphore_mem>>)
      tpu.wait_dma2 semaphore(%run_scoped3A : memref<!tpu.dma_semaphore, #tpu.memory_space<semaphore_mem>>) src(%arg2 : memref<16xi32, #tpu.memory_space<hbm>>) dst(%arg9 : memref<16xi32, #tpu.memory_space<vmem>>)
      tpu.yield
    }) : () -> ()
    "tpu.region"() ({
      %run_scoped3A = tpu.sem_alloc : memref<!tpu.dma_semaphore, #tpu.memory_space<semaphore_mem>>
      %dma_start3A = arith.constant 0 : i32
      %dma_start3A_9 = arith.constant 0 : i32
      %dma_start3A_10 = tpu.memref_slice %arg4[%add3A, %dma_start3A, %dma_start3A_9] : memref<32x80x128xi32, #tpu.memory_space<hbm>> -> memref<1x80x128xi32, #tpu.memory_space<hbm>>
      %dma_start3A_11 = tpu.memref_squeeze %dma_start3A_10 : memref<1x80x128xi32, #tpu.memory_space<hbm>> -> memref<80x128xi32, #tpu.memory_space<hbm>>
      %dma_start3A_12 = arith.constant 0 : i32
      %dma_start3A_13 = arith.constant 0 : i32
      %dma_start3A_14 = tpu.memref_slice %arg4[%add3A, %dma_start3A_12, %dma_start3A_13] : memref<32x80x128xi32, #tpu.memory_space<hbm>> -> memref<1x80x128xi32, #tpu.memory_space<hbm>>
      %dma_start3A_15 = tpu.memref_squeeze %dma_start3A_14 : memref<1x80x128xi32, #tpu.memory_space<hbm>> -> memref<80x128xi32, #tpu.memory_space<hbm>>
      tpu.enqueue_dma source(%dma_start3A_15 : memref<80x128xi32, #tpu.memory_space<hbm>>) target(%arg10 : memref<80x128xi32, #tpu.memory_space<vmem>>) target_semaphore(%run_scoped3A : memref<!tpu.dma_semaphore, #tpu.memory_space<semaphore_mem>>)
      %dma_wait3A = arith.constant 0 : i32
      %dma_wait3A_16 = arith.constant 0 : i32
      %dma_wait3A_17 = tpu.memref_slice %arg4[%add3A, %dma_wait3A, %dma_wait3A_16] : memref<32x80x128xi32, #tpu.memory_space<hbm>> -> memref<1x80x128xi32, #tpu.memory_space<hbm>>
      %dma_wait3A_18 = tpu.memref_squeeze %dma_wait3A_17 : memref<1x80x128xi32, #tpu.memory_space<hbm>> -> memref<80x128xi32, #tpu.memory_space<hbm>>
      %dma_wait3A_19 = arith.constant 0 : i32
      %dma_wait3A_20 = arith.constant 0 : i32
      %dma_wait3A_21 = tpu.memref_slice %arg4[%add3A, %dma_wait3A_19, %dma_wait3A_20] : memref<32x80x128xi32, #tpu.memory_space<hbm>> -> memref<1x80x128xi32, #tpu.memory_space<hbm>>
      %dma_wait3A_22 = tpu.memref_squeeze %dma_wait3A_21 : memref<1x80x128xi32, #tpu.memory_space<hbm>> -> memref<80x128xi32, #tpu.memory_space<hbm>>
      tpu.wait_dma2 semaphore(%run_scoped3A : memref<!tpu.dma_semaphore, #tpu.memory_space<semaphore_mem>>) src(%dma_wait3A_22 : memref<80x128xi32, #tpu.memory_space<hbm>>) dst(%arg10 : memref<80x128xi32, #tpu.memory_space<vmem>>)
      tpu.yield
    }) : () -> ()
    "tpu.region"() ({
      %run_scoped3A = tpu.sem_alloc : memref<!tpu.dma_semaphore, #tpu.memory_space<semaphore_mem>>
      %dma_start3A = arith.constant 0 : i32
      %dma_start3A_9 = arith.constant 0 : i32
      %dma_start3A_10 = tpu.memref_slice %arg5[%add3A, %dma_start3A, %dma_start3A_9] : memref<32x80x128xi32, #tpu.memory_space<hbm>> -> memref<1x80x128xi32, #tpu.memory_space<hbm>>
      %dma_start3A_11 = tpu.memref_squeeze %dma_start3A_10 : memref<1x80x128xi32, #tpu.memory_space<hbm>> -> memref<80x128xi32, #tpu.memory_space<hbm>>
      %dma_start3A_12 = arith.constant 0 : i32
      %dma_start3A_13 = arith.constant 0 : i32
      %dma_start3A_14 = tpu.memref_slice %arg5[%add3A, %dma_start3A_12, %dma_start3A_13] : memref<32x80x128xi32, #tpu.memory_space<hbm>> -> memref<1x80x128xi32, #tpu.memory_space<hbm>>
      %dma_start3A_15 = tpu.memref_squeeze %dma_start3A_14 : memref<1x80x128xi32, #tpu.memory_space<hbm>> -> memref<80x128xi32, #tpu.memory_space<hbm>>
      tpu.enqueue_dma source(%dma_start3A_15 : memref<80x128xi32, #tpu.memory_space<hbm>>) target(%arg11 : memref<80x128xi32, #tpu.memory_space<vmem>>) target_semaphore(%run_scoped3A : memref<!tpu.dma_semaphore, #tpu.memory_space<semaphore_mem>>)
      %dma_wait3A = arith.constant 0 : i32
      %dma_wait3A_16 = arith.constant 0 : i32
      %dma_wait3A_17 = tpu.memref_slice %arg5[%add3A, %dma_wait3A, %dma_wait3A_16] : memref<32x80x128xi32, #tpu.memory_space<hbm>> -> memref<1x80x128xi32, #tpu.memory_space<hbm>>
      %dma_wait3A_18 = tpu.memref_squeeze %dma_wait3A_17 : memref<1x80x128xi32, #tpu.memory_space<hbm>> -> memref<80x128xi32, #tpu.memory_space<hbm>>
      %dma_wait3A_19 = arith.constant 0 : i32
      %dma_wait3A_20 = arith.constant 0 : i32
      %dma_wait3A_21 = tpu.memref_slice %arg5[%add3A, %dma_wait3A_19, %dma_wait3A_20] : memref<32x80x128xi32, #tpu.memory_space<hbm>> -> memref<1x80x128xi32, #tpu.memory_space<hbm>>
      %dma_wait3A_22 = tpu.memref_squeeze %dma_wait3A_21 : memref<1x80x128xi32, #tpu.memory_space<hbm>> -> memref<80x128xi32, #tpu.memory_space<hbm>>
      tpu.wait_dma2 semaphore(%run_scoped3A : memref<!tpu.dma_semaphore, #tpu.memory_space<semaphore_mem>>) src(%dma_wait3A_22 : memref<80x128xi32, #tpu.memory_space<hbm>>) dst(%arg11 : memref<80x128xi32, #tpu.memory_space<vmem>>)
      tpu.yield
    }) : () -> ()
    %get3A = arith.constant 0 : index
    %get3A_1 = tpu.vector_load %arg9[%get3A] {strides = array<i32>} : memref<16xi32, #tpu.memory_space<vmem>>, vector<16xi32>,
    %get3A_2 = vector.shape_cast %get3A_1 : vector<16xi32> to vector<16xi32>
    %slice3A = vector.extract_strided_slice %get3A_2 {offsets = [0], sizes = [1], strides = [1]} : vector<16xi32> to vector<1xi32>
    %squeeze3A = vector.extract %slice3A[0] : i32 from vector<1xi32>
    %eq3A = arith.constant 1 : i32
    %eq3A_3 = arith.cmpi eq, %squeeze3A, %eq3A : i32
    %convert_element_type3A = arith.extui %eq3A_3 : i1 to i32
    %cond3A = arith.constant 0 : i32
    %cond3A_4 = arith.cmpi ne, %convert_element_type3A, %cond3A : i32
    scf.if %cond3A_4 {
      "tpu.region"() ({
        %run_scoped3A = tpu.sem_alloc : memref<!tpu.dma_semaphore, #tpu.memory_space<semaphore_mem>>
        tpu.enqueue_dma source(%arg7 : memref<128x64xf32, #tpu.memory_space<hbm>>) target(%arg12 : memref<128x64xf32, #tpu.memory_space<vmem>>) target_semaphore(%run_scoped3A : memref<!tpu.dma_semaphore, #tpu.memory_space<semaphore_mem>>)
        tpu.wait_dma2 semaphore(%run_scoped3A : memref<!tpu.dma_semaphore, #tpu.memory_space<semaphore_mem>>) src(%arg7 : memref<128x64xf32, #tpu.memory_space<hbm>>) dst(%arg12 : memref<128x64xf32, #tpu.memory_space<vmem>>)
        tpu.yield
      }) : () -> ()
      %mul3A_9 = arith.constant 632 : i32
      %mul3A_10 = arith.muli %arg1, %mul3A_9 : i32
      "tpu.region"() ({
        %run_scoped3A = tpu.sem_alloc : memref<!tpu.dma_semaphore, #tpu.memory_space<semaphore_mem>>
        %dma_start3A = arith.constant 0 : i32
        %dma_start3A_21 = tpu.memref_slice %arg17[%mul3A_10, %dma_start3A] : memref<10112x64xf32, #tpu.memory_space<vmem_shared>> -> memref<632x64xf32, #tpu.memory_space<vmem_shared>>
        tpu.enqueue_dma source(%arg6 : memref<632x64xf32, #tpu.memory_space<hbm>>) target(%dma_start3A_21 : memref<632x64xf32, #tpu.memory_space<vmem_shared>>) target_semaphore(%run_scoped3A : memref<!tpu.dma_semaphore, #tpu.memory_space<semaphore_mem>>)
        %dma_wait3A = arith.constant 0 : i32
        %dma_wait3A_22 = tpu.memref_slice %arg17[%mul3A_10, %dma_wait3A] : memref<10112x64xf32, #tpu.memory_space<vmem_shared>> -> memref<632x64xf32, #tpu.memory_space<vmem_shared>>
        tpu.wait_dma2 semaphore(%run_scoped3A : memref<!tpu.dma_semaphore, #tpu.memory_space<semaphore_mem>>) src(%arg6 : memref<632x64xf32, #tpu.memory_space<hbm>>) dst(%dma_wait3A_22 : memref<632x64xf32, #tpu.memory_space<vmem_shared>>)
        tpu.yield
      }) : () -> ()
      %barrier3A = arith.constant 0 : index
      tpu.barrier barrier_id(%barrier3A)
      %scan3A = arith.constant 0 : i32
      %scan3A_11 = arith.constant 0 : i32
      %scan3A_12 = arith.constant 80 : i32
      %scan3A_13 = arith.addi %scan3A_11, %scan3A_12 : i32
      %scan3A_14 = arith.constant 1 : i32
      scf.for %scan3A_21 = %scan3A_11 to %scan3A_13 step %scan3A_14  : i32 {
        "tpu.region"() ({
          %run_scoped3A = tpu.sem_alloc : memref<!tpu.dma_semaphore, #tpu.memory_space<semaphore_mem>>
          %dma_start3A = arith.constant 0 : i32
          %dma_start3A_22 = tpu.memref_slice %arg11[%scan3A_21, %dma_start3A] : memref<80x128xi32, #tpu.memory_space<vmem>> -> memref<1x128xi32, #tpu.memory_space<vmem>>
          %dma_start3A_23 = tpu.memref_squeeze %dma_start3A_22 : memref<1x128xi32, #tpu.memory_space<vmem>> -> memref<128xi32, #tpu.memory_space<vmem>>
          %dma_start3A_24 = arith.constant 0 : i32
          %dma_start3A_25 = arith.constant 0 : i32
          %dma_start3A_26 = tpu.memref_slice %arg17[%dma_start3A_24, %dma_start3A_25] : memref<10112x64xf32, #tpu.memory_space<vmem_shared>> -> memref<10112x64xf32, #tpu.memory_space<vmem_shared>>
          tpu.enqueue_indirect_dma source(%arg12 : memref<128x64xf32, #tpu.memory_space<vmem>>) target(%dma_start3A_26 : memref<10112x64xf32, #tpu.memory_space<vmem_shared>>) offsets(%dma_start3A_23 : memref<128xi32, #tpu.memory_space<vmem>>) semaphore(%run_scoped3A : memref<!tpu.dma_semaphore, #tpu.memory_space<semaphore_mem>>) {add = true}
          %dma_wait3A = arith.constant 0 : i32
          %dma_wait3A_27 = tpu.memref_slice %arg11[%scan3A_21, %dma_wait3A] : memref<80x128xi32, #tpu.memory_space<vmem>> -> memref<1x128xi32, #tpu.memory_space<vmem>>
          %dma_wait3A_28 = tpu.memref_squeeze %dma_wait3A_27 : memref<1x128xi32, #tpu.memory_space<vmem>> -> memref<128xi32, #tpu.memory_space<vmem>>
          %dma_wait3A_29 = arith.constant 0 : i32
          %dma_wait3A_30 = arith.constant 0 : i32
          %dma_wait3A_31 = tpu.memref_slice %arg17[%dma_wait3A_29, %dma_wait3A_30] : memref<10112x64xf32, #tpu.memory_space<vmem_shared>> -> memref<10112x64xf32, #tpu.memory_space<vmem_shared>>
          tpu.wait_indirect_dma semaphore(%run_scoped3A : memref<!tpu.dma_semaphore, #tpu.memory_space<semaphore_mem>>) src(%arg12 : memref<128x64xf32, #tpu.memory_space<vmem>>) dst(%dma_wait3A_31 : memref<10112x64xf32, #tpu.memory_space<vmem_shared>>)
          tpu.yield
        }) : () -> ()
      }
      %scan3A_15 = arith.constant 80 : i32
      %barrier3A_16 = arith.constant 0 : index
      tpu.barrier barrier_id(%barrier3A_16)
      %mul3A_17 = arith.constant 632 : i32
      %mul3A_18 = arith.muli %arg1, %mul3A_17 : i32
      %mul3A_19 = arith.constant 632 : i32
      %mul3A_20 = arith.muli %arg1, %mul3A_19 : i32
      "tpu.region"() ({
        %run_scoped3A = tpu.sem_alloc : memref<!tpu.dma_semaphore, #tpu.memory_space<semaphore_mem>>
        %dma_start3A = arith.constant 0 : i32
        %dma_start3A_21 = tpu.memref_slice %arg8[%arg0, %mul3A_20, %dma_start3A] : memref<2x10112x128xf32, #tpu.memory_space<hbm>> -> memref<1x632x64xf32, #tpu.memory_space<hbm>>
        %dma_start3A_22 = tpu.memref_squeeze %dma_start3A_21 : memref<1x632x64xf32, #tpu.memory_space<hbm>> -> memref<632x64xf32, #tpu.memory_space<hbm>>
        %dma_start3A_23 = arith.constant 0 : i32
        %dma_start3A_24 = tpu.memref_slice %arg17[%mul3A_18, %dma_start3A_23] : memref<10112x64xf32, #tpu.memory_space<vmem_shared>> -> memref<632x64xf32, #tpu.memory_space<vmem_shared>>
        tpu.enqueue_dma source(%dma_start3A_24 : memref<632x64xf32, #tpu.memory_space<vmem_shared>>) target(%dma_start3A_22 : memref<632x64xf32, #tpu.memory_space<hbm>>) target_semaphore(%run_scoped3A : memref<!tpu.dma_semaphore, #tpu.memory_space<semaphore_mem>>)
        %dma_wait3A = arith.constant 0 : i32
        %dma_wait3A_25 = tpu.memref_slice %arg8[%arg0, %mul3A_20, %dma_wait3A] : memref<2x10112x128xf32, #tpu.memory_space<hbm>> -> memref<1x632x64xf32, #tpu.memory_space<hbm>>
        %dma_wait3A_26 = tpu.memref_squeeze %dma_wait3A_25 : memref<1x632x64xf32, #tpu.memory_space<hbm>> -> memref<632x64xf32, #tpu.memory_space<hbm>>
        %dma_wait3A_27 = arith.constant 0 : i32
        %dma_wait3A_28 = tpu.memref_slice %arg17[%mul3A_18, %dma_wait3A_27] : memref<10112x64xf32, #tpu.memory_space<vmem_shared>> -> memref<632x64xf32, #tpu.memory_space<vmem_shared>>
        tpu.wait_dma2 semaphore(%run_scoped3A : memref<!tpu.dma_semaphore, #tpu.memory_space<semaphore_mem>>) src(%dma_wait3A_28 : memref<632x64xf32, #tpu.memory_space<vmem_shared>>) dst(%dma_wait3A_26 : memref<632x64xf32, #tpu.memory_space<hbm>>)
        tpu.yield
      }) : () -> ()
    } else {
    }
    %not3A = arith.constant true
    %not3A_5 = arith.xori %eq3A_3, %not3A : i1
    %convert_element_type3A_6 = arith.extui %not3A_5 : i1 to i32
    %cond3A_7 = arith.constant 0 : i32
    %cond3A_8 = arith.cmpi ne, %convert_element_type3A_6, %cond3A_7 : i32
    scf.if %cond3A_8 {
      %mul3A_9 = arith.constant 632 : i32
      %mul3A_10 = arith.muli %arg1, %mul3A_9 : i32
      "tpu.region"() ({
        %run_scoped3A = tpu.sem_alloc : memref<!tpu.dma_semaphore, #tpu.memory_space<semaphore_mem>>
        %dma_start3A_163 = arith.constant 0 : i32
        %dma_start3A_164 = tpu.memref_slice %arg17[%mul3A_10, %dma_start3A_163] : memref<10112x64xf32, #tpu.memory_space<vmem_shared>> -> memref<632x64xf32, #tpu.memory_space<vmem_shared>>
        tpu.enqueue_dma source(%arg6 : memref<632x64xf32, #tpu.memory_space<hbm>>) target(%dma_start3A_164 : memref<632x64xf32, #tpu.memory_space<vmem_shared>>) target_semaphore(%run_scoped3A : memref<!tpu.dma_semaphore, #tpu.memory_space<semaphore_mem>>)
        %dma_wait3A_165 = arith.constant 0 : i32
        %dma_wait3A_166 = tpu.memref_slice %arg17[%mul3A_10, %dma_wait3A_165] : memref<10112x64xf32, #tpu.memory_space<vmem_shared>> -> memref<632x64xf32, #tpu.memory_space<vmem_shared>>
        tpu.wait_dma2 semaphore(%run_scoped3A : memref<!tpu.dma_semaphore, #tpu.memory_space<semaphore_mem>>) src(%arg6 : memref<632x64xf32, #tpu.memory_space<hbm>>) dst(%dma_wait3A_166 : memref<632x64xf32, #tpu.memory_space<vmem_shared>>)
        tpu.yield
      }) : () -> ()
      %barrier3A = arith.constant 0 : index
      tpu.barrier barrier_id(%barrier3A)
      %dma_start3A = arith.constant 0 : i32
      %dma_start3A_11 = arith.constant 0 : i32
      %dma_start3A_12 = arith.constant 0 : i32
      %dma_start3A_13 = tpu.memref_slice %arg10[%dma_start3A_11, %dma_start3A_12] : memref<80x128xi32, #tpu.memory_space<vmem>> -> memref<1x128xi32, #tpu.memory_space<vmem>>
      %dma_start3A_14 = tpu.memref_squeeze %dma_start3A_13 : memref<1x128xi32, #tpu.memory_space<vmem>> -> memref<128xi32, #tpu.memory_space<vmem>>
      %dma_start3A_15 = arith.constant 0 : i32
      %dma_start3A_16 = arith.constant 0 : i32
      %dma_start3A_17 = tpu.memref_slice %arg3[%dma_start3A, %dma_start3A_15, %dma_start3A_16] : memref<2x10000x64xf32, #tpu.memory_space<hbm>> -> memref<1x10000x64xf32, #tpu.memory_space<hbm>>
      %dma_start3A_18 = tpu.memref_squeeze %dma_start3A_17 : memref<1x10000x64xf32, #tpu.memory_space<hbm>> -> memref<10000x64xf32, #tpu.memory_space<hbm>>
      %dma_start3A_19 = arith.constant 0 : i32
      %dma_start3A_20 = arith.constant 0 : i32
      %dma_start3A_21 = tpu.memref_slice %dma_start3A_18[%dma_start3A_19, %dma_start3A_20] : memref<10000x64xf32, #tpu.memory_space<hbm>> -> memref<10000x64xf32, #tpu.memory_space<hbm>>
      tpu.enqueue_indirect_dma source(%dma_start3A_21 : memref<10000x64xf32, #tpu.memory_space<hbm>>) target(%arg13 : memref<128x64xf32, #tpu.memory_space<vmem>>) offsets(%dma_start3A_14 : memref<128xi32, #tpu.memory_space<vmem>>) semaphore(%arg18 : memref<!tpu.dma_semaphore, #tpu.memory_space<semaphore_mem>>)
      %dma_start3A_22 = arith.constant 0 : i32
      %dma_start3A_23 = arith.constant 1 : i32
      %dma_start3A_24 = arith.constant 0 : i32
      %dma_start3A_25 = tpu.memref_slice %arg10[%dma_start3A_23, %dma_start3A_24] : memref<80x128xi32, #tpu.memory_space<vmem>> -> memref<1x128xi32, #tpu.memory_space<vmem>>
      %dma_start3A_26 = tpu.memref_squeeze %dma_start3A_25 : memref<1x128xi32, #tpu.memory_space<vmem>> -> memref<128xi32, #tpu.memory_space<vmem>>
      %dma_start3A_27 = arith.constant 0 : i32
      %dma_start3A_28 = arith.constant 0 : i32
      %dma_start3A_29 = tpu.memref_slice %arg3[%dma_start3A_22, %dma_start3A_27, %dma_start3A_28] : memref<2x10000x64xf32, #tpu.memory_space<hbm>> -> memref<1x10000x64xf32, #tpu.memory_space<hbm>>
      %dma_start3A_30 = tpu.memref_squeeze %dma_start3A_29 : memref<1x10000x64xf32, #tpu.memory_space<hbm>> -> memref<10000x64xf32, #tpu.memory_space<hbm>>
      %dma_start3A_31 = arith.constant 0 : i32
      %dma_start3A_32 = arith.constant 0 : i32
      %dma_start3A_33 = tpu.memref_slice %dma_start3A_30[%dma_start3A_31, %dma_start3A_32] : memref<10000x64xf32, #tpu.memory_space<hbm>> -> memref<10000x64xf32, #tpu.memory_space<hbm>>
      tpu.enqueue_indirect_dma source(%dma_start3A_33 : memref<10000x64xf32, #tpu.memory_space<hbm>>) target(%arg14 : memref<128x64xf32, #tpu.memory_space<vmem>>) offsets(%dma_start3A_26 : memref<128xi32, #tpu.memory_space<vmem>>) semaphore(%arg19 : memref<!tpu.dma_semaphore, #tpu.memory_space<semaphore_mem>>)
      %dma_start3A_34 = arith.constant 0 : i32
      %dma_start3A_35 = arith.constant 2 : i32
      %dma_start3A_36 = arith.constant 0 : i32
      %dma_start3A_37 = tpu.memref_slice %arg10[%dma_start3A_35, %dma_start3A_36] : memref<80x128xi32, #tpu.memory_space<vmem>> -> memref<1x128xi32, #tpu.memory_space<vmem>>
      %dma_start3A_38 = tpu.memref_squeeze %dma_start3A_37 : memref<1x128xi32, #tpu.memory_space<vmem>> -> memref<128xi32, #tpu.memory_space<vmem>>
      %dma_start3A_39 = arith.constant 0 : i32
      %dma_start3A_40 = arith.constant 0 : i32
      %dma_start3A_41 = tpu.memref_slice %arg3[%dma_start3A_34, %dma_start3A_39, %dma_start3A_40] : memref<2x10000x64xf32, #tpu.memory_space<hbm>> -> memref<1x10000x64xf32, #tpu.memory_space<hbm>>
      %dma_start3A_42 = tpu.memref_squeeze %dma_start3A_41 : memref<1x10000x64xf32, #tpu.memory_space<hbm>> -> memref<10000x64xf32, #tpu.memory_space<hbm>>
      %dma_start3A_43 = arith.constant 0 : i32
      %dma_start3A_44 = arith.constant 0 : i32
      %dma_start3A_45 = tpu.memref_slice %dma_start3A_42[%dma_start3A_43, %dma_start3A_44] : memref<10000x64xf32, #tpu.memory_space<hbm>> -> memref<10000x64xf32, #tpu.memory_space<hbm>>
      tpu.enqueue_indirect_dma source(%dma_start3A_45 : memref<10000x64xf32, #tpu.memory_space<hbm>>) target(%arg15 : memref<128x64xf32, #tpu.memory_space<vmem>>) offsets(%dma_start3A_38 : memref<128xi32, #tpu.memory_space<vmem>>) semaphore(%arg20 : memref<!tpu.dma_semaphore, #tpu.memory_space<semaphore_mem>>)
      %scan3A = arith.constant 0 : i32
      %scan3A_46 = arith.constant 0 : i32
      %scan3A_47 = arith.constant 0 : i32
      %scan3A_48 = arith.constant 80 : i32
      %scan3A_49 = arith.addi %scan3A_47, %scan3A_48 : i32
      %scan3A_50 = arith.constant 1 : i32
      scf.for %scan3A_163 = %scan3A_47 to %scan3A_49 step %scan3A_50  : i32 {
        %rem3A = arith.constant 4 : i32
        %rem3A_164 = arith.remsi %scan3A_163, %rem3A : i32
        %eq3A_165 = arith.constant 0 : i32
        %eq3A_166 = arith.cmpi eq, %rem3A_164, %eq3A_165 : i32
        %convert_element_type3A_167 = arith.extui %eq3A_166 : i1 to i32
        %cond3A_168 = arith.constant 0 : i32
        %cond3A_169 = arith.cmpi ne, %convert_element_type3A_167, %cond3A_168 : i32
        scf.if %cond3A_169 {
          %dma_wait3A_185 = arith.constant 0 : i32
          %dma_wait3A_186 = arith.constant 0 : i32
          %dma_wait3A_187 = tpu.memref_slice %arg10[%dma_wait3A_185, %dma_wait3A_186] : memref<80x128xi32, #tpu.memory_space<vmem>> -> memref<1x128xi32, #tpu.memory_space<vmem>>
          %dma_wait3A_188 = tpu.memref_squeeze %dma_wait3A_187 : memref<1x128xi32, #tpu.memory_space<vmem>> -> memref<128xi32, #tpu.memory_space<vmem>>
          %dma_wait3A_189 = arith.constant 0 : i32
          %dma_wait3A_190 = arith.constant 0 : i32
          %dma_wait3A_191 = tpu.memref_slice %arg3[%scan3A_46, %dma_wait3A_189, %dma_wait3A_190] : memref<2x10000x64xf32, #tpu.memory_space<hbm>> -> memref<1x10000x64xf32, #tpu.memory_space<hbm>>
          %dma_wait3A_192 = tpu.memref_squeeze %dma_wait3A_191 : memref<1x10000x64xf32, #tpu.memory_space<hbm>> -> memref<10000x64xf32, #tpu.memory_space<hbm>>
          %dma_wait3A_193 = arith.constant 0 : i32
          %dma_wait3A_194 = arith.constant 0 : i32
          %dma_wait3A_195 = tpu.memref_slice %dma_wait3A_192[%dma_wait3A_193, %dma_wait3A_194] : memref<10000x64xf32, #tpu.memory_space<hbm>> -> memref<10000x64xf32, #tpu.memory_space<hbm>>
          tpu.wait_indirect_dma semaphore(%arg18 : memref<!tpu.dma_semaphore, #tpu.memory_space<semaphore_mem>>) src(%dma_wait3A_195 : memref<10000x64xf32, #tpu.memory_space<hbm>>) dst(%arg13 : memref<128x64xf32, #tpu.memory_space<vmem>>)
          %dma_start3A_196 = arith.constant 0 : i32
          %dma_start3A_197 = tpu.memref_slice %arg11[%scan3A_163, %dma_start3A_196] : memref<80x128xi32, #tpu.memory_space<vmem>> -> memref<1x128xi32, #tpu.memory_space<vmem>>
          %dma_start3A_198 = tpu.memref_squeeze %dma_start3A_197 : memref<1x128xi32, #tpu.memory_space<vmem>> -> memref<128xi32, #tpu.memory_space<vmem>>
          %dma_start3A_199 = arith.constant 0 : i32
          %dma_start3A_200 = arith.constant 0 : i32
          %dma_start3A_201 = tpu.memref_slice %arg17[%dma_start3A_199, %dma_start3A_200] : memref<10112x64xf32, #tpu.memory_space<vmem_shared>> -> memref<10112x64xf32, #tpu.memory_space<vmem_shared>>
          tpu.enqueue_indirect_dma source(%arg13 : memref<128x64xf32, #tpu.memory_space<vmem>>) target(%dma_start3A_201 : memref<10112x64xf32, #tpu.memory_space<vmem_shared>>) offsets(%dma_start3A_198 : memref<128xi32, #tpu.memory_space<vmem>>) semaphore(%arg22 : memref<!tpu.dma_semaphore, #tpu.memory_space<semaphore_mem>>) {add = true}
          %add3A_202 = arith.constant 4 : i32
          %add3A_203 = arith.addi %scan3A_163, %add3A_202 : i32
          %sub3A = arith.constant 1 : i32
          %sub3A_204 = arith.subi %add3A_203, %sub3A : i32
          %lt3A = arith.constant 80 : i32
          %lt3A_205 = arith.cmpi slt, %sub3A_204, %lt3A : i32
          %convert_element_type3A_206 = arith.extui %lt3A_205 : i1 to i32
          %cond3A_207 = arith.constant 0 : i32
          %cond3A_208 = arith.cmpi ne, %convert_element_type3A_206, %cond3A_207 : i32
          scf.if %cond3A_208 {
            %ge3A = arith.constant 1 : i32
            %ge3A_209 = arith.cmpi sge, %scan3A_163, %ge3A : i32
            %convert_element_type3A_210 = arith.extui %ge3A_209 : i1 to i32
            %cond3A_211 = arith.constant 0 : i32
            %cond3A_212 = arith.cmpi ne, %convert_element_type3A_210, %cond3A_211 : i32
            scf.if %cond3A_212 {
              %dma_wait3A_227 = arith.constant 0 : i32
              %dma_wait3A_228 = arith.constant 0 : i32
              %dma_wait3A_229 = tpu.memref_slice %arg11[%dma_wait3A_227, %dma_wait3A_228] : memref<80x128xi32, #tpu.memory_space<vmem>> -> memref<1x128xi32, #tpu.memory_space<vmem>>
              %dma_wait3A_230 = tpu.memref_squeeze %dma_wait3A_229 : memref<1x128xi32, #tpu.memory_space<vmem>> -> memref<128xi32, #tpu.memory_space<vmem>>
              %dma_wait3A_231 = arith.constant 0 : i32
              %dma_wait3A_232 = arith.constant 0 : i32
              %dma_wait3A_233 = tpu.memref_slice %arg17[%dma_wait3A_231, %dma_wait3A_232] : memref<10112x64xf32, #tpu.memory_space<vmem_shared>> -> memref<10112x64xf32, #tpu.memory_space<vmem_shared>>
              tpu.wait_indirect_dma semaphore(%arg25 : memref<!tpu.dma_semaphore, #tpu.memory_space<semaphore_mem>>) src(%arg16 : memref<128x64xf32, #tpu.memory_space<vmem>>) dst(%dma_wait3A_233 : memref<10112x64xf32, #tpu.memory_space<vmem_shared>>)
            } else {
            }
            %add3A_213 = arith.constant 4 : i32
            %add3A_214 = arith.addi %scan3A_163, %add3A_213 : i32
            %sub3A_215 = arith.constant 1 : i32
            %sub3A_216 = arith.subi %add3A_214, %sub3A_215 : i32
            %dma_start3A_217 = arith.constant 0 : i32
            %dma_start3A_218 = tpu.memref_slice %arg10[%sub3A_216, %dma_start3A_217] : memref<80x128xi32, #tpu.memory_space<vmem>> -> memref<1x128xi32, #tpu.memory_space<vmem>>
            %dma_start3A_219 = tpu.memref_squeeze %dma_start3A_218 : memref<1x128xi32, #tpu.memory_space<vmem>> -> memref<128xi32, #tpu.memory_space<vmem>>
            %dma_start3A_220 = arith.constant 0 : i32
            %dma_start3A_221 = arith.constant 0 : i32
            %dma_start3A_222 = tpu.memref_slice %arg3[%scan3A_46, %dma_start3A_220, %dma_start3A_221] : memref<2x10000x64xf32, #tpu.memory_space<hbm>> -> memref<1x10000x64xf32, #tpu.memory_space<hbm>>
            %dma_start3A_223 = tpu.memref_squeeze %dma_start3A_222 : memref<1x10000x64xf32, #tpu.memory_space<hbm>> -> memref<10000x64xf32, #tpu.memory_space<hbm>>
            %dma_start3A_224 = arith.constant 0 : i32
            %dma_start3A_225 = arith.constant 0 : i32
            %dma_start3A_226 = tpu.memref_slice %dma_start3A_223[%dma_start3A_224, %dma_start3A_225] : memref<10000x64xf32, #tpu.memory_space<hbm>> -> memref<10000x64xf32, #tpu.memory_space<hbm>>
            tpu.enqueue_indirect_dma source(%dma_start3A_226 : memref<10000x64xf32, #tpu.memory_space<hbm>>) target(%arg16 : memref<128x64xf32, #tpu.memory_space<vmem>>) offsets(%dma_start3A_219 : memref<128xi32, #tpu.memory_space<vmem>>) semaphore(%arg21 : memref<!tpu.dma_semaphore, #tpu.memory_space<semaphore_mem>>)
          } else {
          }
        } else {
        }
        %eq3A_170 = arith.constant 1 : i32
        %eq3A_171 = arith.cmpi eq, %rem3A_164, %eq3A_170 : i32
        %convert_element_type3A_172 = arith.extui %eq3A_171 : i1 to i32
        %cond3A_173 = arith.constant 0 : i32
        %cond3A_174 = arith.cmpi ne, %convert_element_type3A_172, %cond3A_173 : i32
        scf.if %cond3A_174 {
          %dma_wait3A_185 = arith.constant 0 : i32
          %dma_wait3A_186 = arith.constant 0 : i32
          %dma_wait3A_187 = tpu.memref_slice %arg10[%dma_wait3A_185, %dma_wait3A_186] : memref<80x128xi32, #tpu.memory_space<vmem>> -> memref<1x128xi32, #tpu.memory_space<vmem>>
          %dma_wait3A_188 = tpu.memref_squeeze %dma_wait3A_187 : memref<1x128xi32, #tpu.memory_space<vmem>> -> memref<128xi32, #tpu.memory_space<vmem>>
          %dma_wait3A_189 = arith.constant 0 : i32
          %dma_wait3A_190 = arith.constant 0 : i32
          %dma_wait3A_191 = tpu.memref_slice %arg3[%scan3A_46, %dma_wait3A_189, %dma_wait3A_190] : memref<2x10000x64xf32, #tpu.memory_space<hbm>> -> memref<1x10000x64xf32, #tpu.memory_space<hbm>>
          %dma_wait3A_192 = tpu.memref_squeeze %dma_wait3A_191 : memref<1x10000x64xf32, #tpu.memory_space<hbm>> -> memref<10000x64xf32, #tpu.memory_space<hbm>>
          %dma_wait3A_193 = arith.constant 0 : i32
          %dma_wait3A_194 = arith.constant 0 : i32
          %dma_wait3A_195 = tpu.memref_slice %dma_wait3A_192[%dma_wait3A_193, %dma_wait3A_194] : memref<10000x64xf32, #tpu.memory_space<hbm>> -> memref<10000x64xf32, #tpu.memory_space<hbm>>
          tpu.wait_indirect_dma semaphore(%arg19 : memref<!tpu.dma_semaphore, #tpu.memory_space<semaphore_mem>>) src(%dma_wait3A_195 : memref<10000x64xf32, #tpu.memory_space<hbm>>) dst(%arg14 : memref<128x64xf32, #tpu.memory_space<vmem>>)
          %dma_start3A_196 = arith.constant 0 : i32
          %dma_start3A_197 = tpu.memref_slice %arg11[%scan3A_163, %dma_start3A_196] : memref<80x128xi32, #tpu.memory_space<vmem>> -> memref<1x128xi32, #tpu.memory_space<vmem>>
          %dma_start3A_198 = tpu.memref_squeeze %dma_start3A_197 : memref<1x128xi32, #tpu.memory_space<vmem>> -> memref<128xi32, #tpu.memory_space<vmem>>
          %dma_start3A_199 = arith.constant 0 : i32
          %dma_start3A_200 = arith.constant 0 : i32
          %dma_start3A_201 = tpu.memref_slice %arg17[%dma_start3A_199, %dma_start3A_200] : memref<10112x64xf32, #tpu.memory_space<vmem_shared>> -> memref<10112x64xf32, #tpu.memory_space<vmem_shared>>
          tpu.enqueue_indirect_dma source(%arg14 : memref<128x64xf32, #tpu.memory_space<vmem>>) target(%dma_start3A_201 : memref<10112x64xf32, #tpu.memory_space<vmem_shared>>) offsets(%dma_start3A_198 : memref<128xi32, #tpu.memory_space<vmem>>) semaphore(%arg23 : memref<!tpu.dma_semaphore, #tpu.memory_space<semaphore_mem>>) {add = true}
          %add3A_202 = arith.constant 4 : i32
          %add3A_203 = arith.addi %scan3A_163, %add3A_202 : i32
          %sub3A = arith.constant 1 : i32
          %sub3A_204 = arith.subi %add3A_203, %sub3A : i32
          %lt3A = arith.constant 80 : i32
          %lt3A_205 = arith.cmpi slt, %sub3A_204, %lt3A : i32
          %convert_element_type3A_206 = arith.extui %lt3A_205 : i1 to i32
          %cond3A_207 = arith.constant 0 : i32
          %cond3A_208 = arith.cmpi ne, %convert_element_type3A_206, %cond3A_207 : i32
          scf.if %cond3A_208 {
            %ge3A = arith.constant 1 : i32
            %ge3A_209 = arith.cmpi sge, %scan3A_163, %ge3A : i32
            %convert_element_type3A_210 = arith.extui %ge3A_209 : i1 to i32
            %cond3A_211 = arith.constant 0 : i32
            %cond3A_212 = arith.cmpi ne, %convert_element_type3A_210, %cond3A_211 : i32
            scf.if %cond3A_212 {
              %dma_wait3A_227 = arith.constant 0 : i32
              %dma_wait3A_228 = arith.constant 0 : i32
              %dma_wait3A_229 = tpu.memref_slice %arg11[%dma_wait3A_227, %dma_wait3A_228] : memref<80x128xi32, #tpu.memory_space<vmem>> -> memref<1x128xi32, #tpu.memory_space<vmem>>
              %dma_wait3A_230 = tpu.memref_squeeze %dma_wait3A_229 : memref<1x128xi32, #tpu.memory_space<vmem>> -> memref<128xi32, #tpu.memory_space<vmem>>
              %dma_wait3A_231 = arith.constant 0 : i32
              %dma_wait3A_232 = arith.constant 0 : i32
              %dma_wait3A_233 = tpu.memref_slice %arg17[%dma_wait3A_231, %dma_wait3A_232] : memref<10112x64xf32, #tpu.memory_space<vmem_shared>> -> memref<10112x64xf32, #tpu.memory_space<vmem_shared>>
              tpu.wait_indirect_dma semaphore(%arg22 : memref<!tpu.dma_semaphore, #tpu.memory_space<semaphore_mem>>) src(%arg13 : memref<128x64xf32, #tpu.memory_space<vmem>>) dst(%dma_wait3A_233 : memref<10112x64xf32, #tpu.memory_space<vmem_shared>>)
            } else {
            }
            %add3A_213 = arith.constant 4 : i32
            %add3A_214 = arith.addi %scan3A_163, %add3A_213 : i32
            %sub3A_215 = arith.constant 1 : i32
            %sub3A_216 = arith.subi %add3A_214, %sub3A_215 : i32
            %dma_start3A_217 = arith.constant 0 : i32
            %dma_start3A_218 = tpu.memref_slice %arg10[%sub3A_216, %dma_start3A_217] : memref<80x128xi32, #tpu.memory_space<vmem>> -> memref<1x128xi32, #tpu.memory_space<vmem>>
            %dma_start3A_219 = tpu.memref_squeeze %dma_start3A_218 : memref<1x128xi32, #tpu.memory_space<vmem>> -> memref<128xi32, #tpu.memory_space<vmem>>
            %dma_start3A_220 = arith.constant 0 : i32
            %dma_start3A_221 = arith.constant 0 : i32
            %dma_start3A_222 = tpu.memref_slice %arg3[%scan3A_46, %dma_start3A_220, %dma_start3A_221] : memref<2x10000x64xf32, #tpu.memory_space<hbm>> -> memref<1x10000x64xf32, #tpu.memory_space<hbm>>
            %dma_start3A_223 = tpu.memref_squeeze %dma_start3A_222 : memref<1x10000x64xf32, #tpu.memory_space<hbm>> -> memref<10000x64xf32, #tpu.memory_space<hbm>>
            %dma_start3A_224 = arith.constant 0 : i32
            %dma_start3A_225 = arith.constant 0 : i32
            %dma_start3A_226 = tpu.memref_slice %dma_start3A_223[%dma_start3A_224, %dma_start3A_225] : memref<10000x64xf32, #tpu.memory_space<hbm>> -> memref<10000x64xf32, #tpu.memory_space<hbm>>
            tpu.enqueue_indirect_dma source(%dma_start3A_226 : memref<10000x64xf32, #tpu.memory_space<hbm>>) target(%arg13 : memref<128x64xf32, #tpu.memory_space<vmem>>) offsets(%dma_start3A_219 : memref<128xi32, #tpu.memory_space<vmem>>) semaphore(%arg18 : memref<!tpu.dma_semaphore, #tpu.memory_space<semaphore_mem>>)
          } else {
          }
        } else {
        }
        %eq3A_175 = arith.constant 2 : i32
        %eq3A_176 = arith.cmpi eq, %rem3A_164, %eq3A_175 : i32
        %convert_element_type3A_177 = arith.extui %eq3A_176 : i1 to i32
        %cond3A_178 = arith.constant 0 : i32
        %cond3A_179 = arith.cmpi ne, %convert_element_type3A_177, %cond3A_178 : i32
        scf.if %cond3A_179 {
          %dma_wait3A_185 = arith.constant 0 : i32
          %dma_wait3A_186 = arith.constant 0 : i32
          %dma_wait3A_187 = tpu.memref_slice %arg10[%dma_wait3A_185, %dma_wait3A_186] : memref<80x128xi32, #tpu.memory_space<vmem>> -> memref<1x128xi32, #tpu.memory_space<vmem>>
          %dma_wait3A_188 = tpu.memref_squeeze %dma_wait3A_187 : memref<1x128xi32, #tpu.memory_space<vmem>> -> memref<128xi32, #tpu.memory_space<vmem>>
          %dma_wait3A_189 = arith.constant 0 : i32
          %dma_wait3A_190 = arith.constant 0 : i32
          %dma_wait3A_191 = tpu.memref_slice %arg3[%scan3A_46, %dma_wait3A_189, %dma_wait3A_190] : memref<2x10000x64xf32, #tpu.memory_space<hbm>> -> memref<1x10000x64xf32, #tpu.memory_space<hbm>>
          %dma_wait3A_192 = tpu.memref_squeeze %dma_wait3A_191 : memref<1x10000x64xf32, #tpu.memory_space<hbm>> -> memref<10000x64xf32, #tpu.memory_space<hbm>>
          %dma_wait3A_193 = arith.constant 0 : i32
          %dma_wait3A_194 = arith.constant 0 : i32
          %dma_wait3A_195 = tpu.memref_slice %dma_wait3A_192[%dma_wait3A_193, %dma_wait3A_194] : memref<10000x64xf32, #tpu.memory_space<hbm>> -> memref<10000x64xf32, #tpu.memory_space<hbm>>
          tpu.wait_indirect_dma semaphore(%arg20 : memref<!tpu.dma_semaphore, #tpu.memory_space<semaphore_mem>>) src(%dma_wait3A_195 : memref<10000x64xf32, #tpu.memory_space<hbm>>) dst(%arg15 : memref<128x64xf32, #tpu.memory_space<vmem>>)
          %dma_start3A_196 = arith.constant 0 : i32
          %dma_start3A_197 = tpu.memref_slice %arg11[%scan3A_163, %dma_start3A_196] : memref<80x128xi32, #tpu.memory_space<vmem>> -> memref<1x128xi32, #tpu.memory_space<vmem>>
          %dma_start3A_198 = tpu.memref_squeeze %dma_start3A_197 : memref<1x128xi32, #tpu.memory_space<vmem>> -> memref<128xi32, #tpu.memory_space<vmem>>
          %dma_start3A_199 = arith.constant 0 : i32
          %dma_start3A_200 = arith.constant 0 : i32
          %dma_start3A_201 = tpu.memref_slice %arg17[%dma_start3A_199, %dma_start3A_200] : memref<10112x64xf32, #tpu.memory_space<vmem_shared>> -> memref<10112x64xf32, #tpu.memory_space<vmem_shared>>
          tpu.enqueue_indirect_dma source(%arg15 : memref<128x64xf32, #tpu.memory_space<vmem>>) target(%dma_start3A_201 : memref<10112x64xf32, #tpu.memory_space<vmem_shared>>) offsets(%dma_start3A_198 : memref<128xi32, #tpu.memory_space<vmem>>) semaphore(%arg24 : memref<!tpu.dma_semaphore, #tpu.memory_space<semaphore_mem>>) {add = true}
          %add3A_202 = arith.constant 4 : i32
          %add3A_203 = arith.addi %scan3A_163, %add3A_202 : i32
          %sub3A = arith.constant 1 : i32
          %sub3A_204 = arith.subi %add3A_203, %sub3A : i32
          %lt3A = arith.constant 80 : i32
          %lt3A_205 = arith.cmpi slt, %sub3A_204, %lt3A : i32
          %convert_element_type3A_206 = arith.extui %lt3A_205 : i1 to i32
          %cond3A_207 = arith.constant 0 : i32
          %cond3A_208 = arith.cmpi ne, %convert_element_type3A_206, %cond3A_207 : i32
          scf.if %cond3A_208 {
            %ge3A = arith.constant 1 : i32
            %ge3A_209 = arith.cmpi sge, %scan3A_163, %ge3A : i32
            %convert_element_type3A_210 = arith.extui %ge3A_209 : i1 to i32
            %cond3A_211 = arith.constant 0 : i32
            %cond3A_212 = arith.cmpi ne, %convert_element_type3A_210, %cond3A_211 : i32
            scf.if %cond3A_212 {
              %dma_wait3A_227 = arith.constant 0 : i32
              %dma_wait3A_228 = arith.constant 0 : i32
              %dma_wait3A_229 = tpu.memref_slice %arg11[%dma_wait3A_227, %dma_wait3A_228] : memref<80x128xi32, #tpu.memory_space<vmem>> -> memref<1x128xi32, #tpu.memory_space<vmem>>
              %dma_wait3A_230 = tpu.memref_squeeze %dma_wait3A_229 : memref<1x128xi32, #tpu.memory_space<vmem>> -> memref<128xi32, #tpu.memory_space<vmem>>
              %dma_wait3A_231 = arith.constant 0 : i32
              %dma_wait3A_232 = arith.constant 0 : i32
              %dma_wait3A_233 = tpu.memref_slice %arg17[%dma_wait3A_231, %dma_wait3A_232] : memref<10112x64xf32, #tpu.memory_space<vmem_shared>> -> memref<10112x64xf32, #tpu.memory_space<vmem_shared>>
              tpu.wait_indirect_dma semaphore(%arg23 : memref<!tpu.dma_semaphore, #tpu.memory_space<semaphore_mem>>) src(%arg14 : memref<128x64xf32, #tpu.memory_space<vmem>>) dst(%dma_wait3A_233 : memref<10112x64xf32, #tpu.memory_space<vmem_shared>>)
            } else {
            }
            %add3A_213 = arith.constant 4 : i32
            %add3A_214 = arith.addi %scan3A_163, %add3A_213 : i32
            %sub3A_215 = arith.constant 1 : i32
            %sub3A_216 = arith.subi %add3A_214, %sub3A_215 : i32
            %dma_start3A_217 = arith.constant 0 : i32
            %dma_start3A_218 = tpu.memref_slice %arg10[%sub3A_216, %dma_start3A_217] : memref<80x128xi32, #tpu.memory_space<vmem>> -> memref<1x128xi32, #tpu.memory_space<vmem>>
            %dma_start3A_219 = tpu.memref_squeeze %dma_start3A_218 : memref<1x128xi32, #tpu.memory_space<vmem>> -> memref<128xi32, #tpu.memory_space<vmem>>
            %dma_start3A_220 = arith.constant 0 : i32
            %dma_start3A_221 = arith.constant 0 : i32
            %dma_start3A_222 = tpu.memref_slice %arg3[%scan3A_46, %dma_start3A_220, %dma_start3A_221] : memref<2x10000x64xf32, #tpu.memory_space<hbm>> -> memref<1x10000x64xf32, #tpu.memory_space<hbm>>
            %dma_start3A_223 = tpu.memref_squeeze %dma_start3A_222 : memref<1x10000x64xf32, #tpu.memory_space<hbm>> -> memref<10000x64xf32, #tpu.memory_space<hbm>>
            %dma_start3A_224 = arith.constant 0 : i32
            %dma_start3A_225 = arith.constant 0 : i32
            %dma_start3A_226 = tpu.memref_slice %dma_start3A_223[%dma_start3A_224, %dma_start3A_225] : memref<10000x64xf32, #tpu.memory_space<hbm>> -> memref<10000x64xf32, #tpu.memory_space<hbm>>
            tpu.enqueue_indirect_dma source(%dma_start3A_226 : memref<10000x64xf32, #tpu.memory_space<hbm>>) target(%arg14 : memref<128x64xf32, #tpu.memory_space<vmem>>) offsets(%dma_start3A_219 : memref<128xi32, #tpu.memory_space<vmem>>) semaphore(%arg19 : memref<!tpu.dma_semaphore, #tpu.memory_space<semaphore_mem>>)
          } else {
          }
        } else {
        }
        %eq3A_180 = arith.constant 3 : i32
        %eq3A_181 = arith.cmpi eq, %rem3A_164, %eq3A_180 : i32
        %convert_element_type3A_182 = arith.extui %eq3A_181 : i1 to i32
        %cond3A_183 = arith.constant 0 : i32
        %cond3A_184 = arith.cmpi ne, %convert_element_type3A_182, %cond3A_183 : i32
        scf.if %cond3A_184 {
          %dma_wait3A_185 = arith.constant 0 : i32
          %dma_wait3A_186 = arith.constant 0 : i32
          %dma_wait3A_187 = tpu.memref_slice %arg10[%dma_wait3A_185, %dma_wait3A_186] : memref<80x128xi32, #tpu.memory_space<vmem>> -> memref<1x128xi32, #tpu.memory_space<vmem>>
          %dma_wait3A_188 = tpu.memref_squeeze %dma_wait3A_187 : memref<1x128xi32, #tpu.memory_space<vmem>> -> memref<128xi32, #tpu.memory_space<vmem>>
          %dma_wait3A_189 = arith.constant 0 : i32
          %dma_wait3A_190 = arith.constant 0 : i32
          %dma_wait3A_191 = tpu.memref_slice %arg3[%scan3A_46, %dma_wait3A_189, %dma_wait3A_190] : memref<2x10000x64xf32, #tpu.memory_space<hbm>> -> memref<1x10000x64xf32, #tpu.memory_space<hbm>>
          %dma_wait3A_192 = tpu.memref_squeeze %dma_wait3A_191 : memref<1x10000x64xf32, #tpu.memory_space<hbm>> -> memref<10000x64xf32, #tpu.memory_space<hbm>>
          %dma_wait3A_193 = arith.constant 0 : i32
          %dma_wait3A_194 = arith.constant 0 : i32
          %dma_wait3A_195 = tpu.memref_slice %dma_wait3A_192[%dma_wait3A_193, %dma_wait3A_194] : memref<10000x64xf32, #tpu.memory_space<hbm>> -> memref<10000x64xf32, #tpu.memory_space<hbm>>
          tpu.wait_indirect_dma semaphore(%arg21 : memref<!tpu.dma_semaphore, #tpu.memory_space<semaphore_mem>>) src(%dma_wait3A_195 : memref<10000x64xf32, #tpu.memory_space<hbm>>) dst(%arg16 : memref<128x64xf32, #tpu.memory_space<vmem>>)
          %dma_start3A_196 = arith.constant 0 : i32
          %dma_start3A_197 = tpu.memref_slice %arg11[%scan3A_163, %dma_start3A_196] : memref<80x128xi32, #tpu.memory_space<vmem>> -> memref<1x128xi32, #tpu.memory_space<vmem>>
          %dma_start3A_198 = tpu.memref_squeeze %dma_start3A_197 : memref<1x128xi32, #tpu.memory_space<vmem>> -> memref<128xi32, #tpu.memory_space<vmem>>
          %dma_start3A_199 = arith.constant 0 : i32
          %dma_start3A_200 = arith.constant 0 : i32
          %dma_start3A_201 = tpu.memref_slice %arg17[%dma_start3A_199, %dma_start3A_200] : memref<10112x64xf32, #tpu.memory_space<vmem_shared>> -> memref<10112x64xf32, #tpu.memory_space<vmem_shared>>
          tpu.enqueue_indirect_dma source(%arg16 : memref<128x64xf32, #tpu.memory_space<vmem>>) target(%dma_start3A_201 : memref<10112x64xf32, #tpu.memory_space<vmem_shared>>) offsets(%dma_start3A_198 : memref<128xi32, #tpu.memory_space<vmem>>) semaphore(%arg25 : memref<!tpu.dma_semaphore, #tpu.memory_space<semaphore_mem>>) {add = true}
          %add3A_202 = arith.constant 4 : i32
          %add3A_203 = arith.addi %scan3A_163, %add3A_202 : i32
          %sub3A = arith.constant 1 : i32
          %sub3A_204 = arith.subi %add3A_203, %sub3A : i32
          %lt3A = arith.constant 80 : i32
          %lt3A_205 = arith.cmpi slt, %sub3A_204, %lt3A : i32
          %convert_element_type3A_206 = arith.extui %lt3A_205 : i1 to i32
          %cond3A_207 = arith.constant 0 : i32
          %cond3A_208 = arith.cmpi ne, %convert_element_type3A_206, %cond3A_207 : i32
          scf.if %cond3A_208 {
            %ge3A = arith.constant 1 : i32
            %ge3A_209 = arith.cmpi sge, %scan3A_163, %ge3A : i32
            %convert_element_type3A_210 = arith.extui %ge3A_209 : i1 to i32
            %cond3A_211 = arith.constant 0 : i32
            %cond3A_212 = arith.cmpi ne, %convert_element_type3A_210, %cond3A_211 : i32
            scf.if %cond3A_212 {
              %dma_wait3A_227 = arith.constant 0 : i32
              %dma_wait3A_228 = arith.constant 0 : i32
              %dma_wait3A_229 = tpu.memref_slice %arg11[%dma_wait3A_227, %dma_wait3A_228] : memref<80x128xi32, #tpu.memory_space<vmem>> -> memref<1x128xi32, #tpu.memory_space<vmem>>
              %dma_wait3A_230 = tpu.memref_squeeze %dma_wait3A_229 : memref<1x128xi32, #tpu.memory_space<vmem>> -> memref<128xi32, #tpu.memory_space<vmem>>
              %dma_wait3A_231 = arith.constant 0 : i32
              %dma_wait3A_232 = arith.constant 0 : i32
              %dma_wait3A_233 = tpu.memref_slice %arg17[%dma_wait3A_231, %dma_wait3A_232] : memref<10112x64xf32, #tpu.memory_space<vmem_shared>> -> memref<10112x64xf32, #tpu.memory_space<vmem_shared>>
              tpu.wait_indirect_dma semaphore(%arg24 : memref<!tpu.dma_semaphore, #tpu.memory_space<semaphore_mem>>) src(%arg15 : memref<128x64xf32, #tpu.memory_space<vmem>>) dst(%dma_wait3A_233 : memref<10112x64xf32, #tpu.memory_space<vmem_shared>>)
            } else {
            }
            %add3A_213 = arith.constant 4 : i32
            %add3A_214 = arith.addi %scan3A_163, %add3A_213 : i32
            %sub3A_215 = arith.constant 1 : i32
            %sub3A_216 = arith.subi %add3A_214, %sub3A_215 : i32
            %dma_start3A_217 = arith.constant 0 : i32
            %dma_start3A_218 = tpu.memref_slice %arg10[%sub3A_216, %dma_start3A_217] : memref<80x128xi32, #tpu.memory_space<vmem>> -> memref<1x128xi32, #tpu.memory_space<vmem>>
            %dma_start3A_219 = tpu.memref_squeeze %dma_start3A_218 : memref<1x128xi32, #tpu.memory_space<vmem>> -> memref<128xi32, #tpu.memory_space<vmem>>
            %dma_start3A_220 = arith.constant 0 : i32
            %dma_start3A_221 = arith.constant 0 : i32
            %dma_start3A_222 = tpu.memref_slice %arg3[%scan3A_46, %dma_start3A_220, %dma_start3A_221] : memref<2x10000x64xf32, #tpu.memory_space<hbm>> -> memref<1x10000x64xf32, #tpu.memory_space<hbm>>
            %dma_start3A_223 = tpu.memref_squeeze %dma_start3A_222 : memref<1x10000x64xf32, #tpu.memory_space<hbm>> -> memref<10000x64xf32, #tpu.memory_space<hbm>>
            %dma_start3A_224 = arith.constant 0 : i32
            %dma_start3A_225 = arith.constant 0 : i32
            %dma_start3A_226 = tpu.memref_slice %dma_start3A_223[%dma_start3A_224, %dma_start3A_225] : memref<10000x64xf32, #tpu.memory_space<hbm>> -> memref<10000x64xf32, #tpu.memory_space<hbm>>
            tpu.enqueue_indirect_dma source(%dma_start3A_226 : memref<10000x64xf32, #tpu.memory_space<hbm>>) target(%arg15 : memref<128x64xf32, #tpu.memory_space<vmem>>) offsets(%dma_start3A_219 : memref<128xi32, #tpu.memory_space<vmem>>) semaphore(%arg20 : memref<!tpu.dma_semaphore, #tpu.memory_space<semaphore_mem>>)
          } else {
          }
        } else {
        }
      }
      %scan3A_51 = arith.constant 80 : i32
      %dma_wait3A = arith.constant 0 : i32
      %dma_wait3A_52 = arith.constant 0 : i32
      %dma_wait3A_53 = tpu.memref_slice %arg11[%dma_wait3A, %dma_wait3A_52] : memref<80x128xi32, #tpu.memory_space<vmem>> -> memref<1x128xi32, #tpu.memory_space<vmem>>
      %dma_wait3A_54 = tpu.memref_squeeze %dma_wait3A_53 : memref<1x128xi32, #tpu.memory_space<vmem>> -> memref<128xi32, #tpu.memory_space<vmem>>
      %dma_wait3A_55 = arith.constant 0 : i32
      %dma_wait3A_56 = arith.constant 0 : i32
      %dma_wait3A_57 = tpu.memref_slice %arg17[%dma_wait3A_55, %dma_wait3A_56] : memref<10112x64xf32, #tpu.memory_space<vmem_shared>> -> memref<10112x64xf32, #tpu.memory_space<vmem_shared>>
      tpu.wait_indirect_dma semaphore(%arg22 : memref<!tpu.dma_semaphore, #tpu.memory_space<semaphore_mem>>) src(%arg13 : memref<128x64xf32, #tpu.memory_space<vmem>>) dst(%dma_wait3A_57 : memref<10112x64xf32, #tpu.memory_space<vmem_shared>>)
      %dma_wait3A_58 = arith.constant 0 : i32
      %dma_wait3A_59 = arith.constant 0 : i32
      %dma_wait3A_60 = tpu.memref_slice %arg11[%dma_wait3A_58, %dma_wait3A_59] : memref<80x128xi32, #tpu.memory_space<vmem>> -> memref<1x128xi32, #tpu.memory_space<vmem>>
      %dma_wait3A_61 = tpu.memref_squeeze %dma_wait3A_60 : memref<1x128xi32, #tpu.memory_space<vmem>> -> memref<128xi32, #tpu.memory_space<vmem>>
      %dma_wait3A_62 = arith.constant 0 : i32
      %dma_wait3A_63 = arith.constant 0 : i32
      %dma_wait3A_64 = tpu.memref_slice %arg17[%dma_wait3A_62, %dma_wait3A_63] : memref<10112x64xf32, #tpu.memory_space<vmem_shared>> -> memref<10112x64xf32, #tpu.memory_space<vmem_shared>>
      tpu.wait_indirect_dma semaphore(%arg23 : memref<!tpu.dma_semaphore, #tpu.memory_space<semaphore_mem>>) src(%arg14 : memref<128x64xf32, #tpu.memory_space<vmem>>) dst(%dma_wait3A_64 : memref<10112x64xf32, #tpu.memory_space<vmem_shared>>)
      %dma_wait3A_65 = arith.constant 0 : i32
      %dma_wait3A_66 = arith.constant 0 : i32
      %dma_wait3A_67 = tpu.memref_slice %arg11[%dma_wait3A_65, %dma_wait3A_66] : memref<80x128xi32, #tpu.memory_space<vmem>> -> memref<1x128xi32, #tpu.memory_space<vmem>>
      %dma_wait3A_68 = tpu.memref_squeeze %dma_wait3A_67 : memref<1x128xi32, #tpu.memory_space<vmem>> -> memref<128xi32, #tpu.memory_space<vmem>>
      %dma_wait3A_69 = arith.constant 0 : i32
      %dma_wait3A_70 = arith.constant 0 : i32
      %dma_wait3A_71 = tpu.memref_slice %arg17[%dma_wait3A_69, %dma_wait3A_70] : memref<10112x64xf32, #tpu.memory_space<vmem_shared>> -> memref<10112x64xf32, #tpu.memory_space<vmem_shared>>
      tpu.wait_indirect_dma semaphore(%arg24 : memref<!tpu.dma_semaphore, #tpu.memory_space<semaphore_mem>>) src(%arg15 : memref<128x64xf32, #tpu.memory_space<vmem>>) dst(%dma_wait3A_71 : memref<10112x64xf32, #tpu.memory_space<vmem_shared>>)
      %dma_wait3A_72 = arith.constant 0 : i32
      %dma_wait3A_73 = arith.constant 0 : i32
      %dma_wait3A_74 = tpu.memref_slice %arg11[%dma_wait3A_72, %dma_wait3A_73] : memref<80x128xi32, #tpu.memory_space<vmem>> -> memref<1x128xi32, #tpu.memory_space<vmem>>
      %dma_wait3A_75 = tpu.memref_squeeze %dma_wait3A_74 : memref<1x128xi32, #tpu.memory_space<vmem>> -> memref<128xi32, #tpu.memory_space<vmem>>
      %dma_wait3A_76 = arith.constant 0 : i32
      %dma_wait3A_77 = arith.constant 0 : i32
      %dma_wait3A_78 = tpu.memref_slice %arg17[%dma_wait3A_76, %dma_wait3A_77] : memref<10112x64xf32, #tpu.memory_space<vmem_shared>> -> memref<10112x64xf32, #tpu.memory_space<vmem_shared>>
      tpu.wait_indirect_dma semaphore(%arg25 : memref<!tpu.dma_semaphore, #tpu.memory_space<semaphore_mem>>) src(%arg16 : memref<128x64xf32, #tpu.memory_space<vmem>>) dst(%dma_wait3A_78 : memref<10112x64xf32, #tpu.memory_space<vmem_shared>>)
      %barrier3A_79 = arith.constant 0 : index
      tpu.barrier barrier_id(%barrier3A_79)
      %mul3A_80 = arith.constant 632 : i32
      %mul3A_81 = arith.muli %arg1, %mul3A_80 : i32
      %mul3A_82 = arith.constant 632 : i32
      %mul3A_83 = arith.muli %arg1, %mul3A_82 : i32
      "tpu.region"() ({
        %run_scoped3A = tpu.sem_alloc : memref<!tpu.dma_semaphore, #tpu.memory_space<semaphore_mem>>
        %dma_start3A_163 = arith.constant 0 : i32
        %dma_start3A_164 = tpu.memref_slice %arg8[%arg0, %mul3A_83, %dma_start3A_163] : memref<2x10112x128xf32, #tpu.memory_space<hbm>> -> memref<1x632x64xf32, #tpu.memory_space<hbm>>
        %dma_start3A_165 = tpu.memref_squeeze %dma_start3A_164 : memref<1x632x64xf32, #tpu.memory_space<hbm>> -> memref<632x64xf32, #tpu.memory_space<hbm>>
        %dma_start3A_166 = arith.constant 0 : i32
        %dma_start3A_167 = tpu.memref_slice %arg17[%mul3A_81, %dma_start3A_166] : memref<10112x64xf32, #tpu.memory_space<vmem_shared>> -> memref<632x64xf32, #tpu.memory_space<vmem_shared>>
        tpu.enqueue_dma source(%dma_start3A_167 : memref<632x64xf32, #tpu.memory_space<vmem_shared>>) target(%dma_start3A_165 : memref<632x64xf32, #tpu.memory_space<hbm>>) target_semaphore(%run_scoped3A : memref<!tpu.dma_semaphore, #tpu.memory_space<semaphore_mem>>)
        %dma_wait3A_168 = arith.constant 0 : i32
        %dma_wait3A_169 = tpu.memref_slice %arg8[%arg0, %mul3A_83, %dma_wait3A_168] : memref<2x10112x128xf32, #tpu.memory_space<hbm>> -> memref<1x632x64xf32, #tpu.memory_space<hbm>>
        %dma_wait3A_170 = tpu.memref_squeeze %dma_wait3A_169 : memref<1x632x64xf32, #tpu.memory_space<hbm>> -> memref<632x64xf32, #tpu.memory_space<hbm>>
        %dma_wait3A_171 = arith.constant 0 : i32
        %dma_wait3A_172 = tpu.memref_slice %arg17[%mul3A_81, %dma_wait3A_171] : memref<10112x64xf32, #tpu.memory_space<vmem_shared>> -> memref<632x64xf32, #tpu.memory_space<vmem_shared>>
        tpu.wait_dma2 semaphore(%run_scoped3A : memref<!tpu.dma_semaphore, #tpu.memory_space<semaphore_mem>>) src(%dma_wait3A_172 : memref<632x64xf32, #tpu.memory_space<vmem_shared>>) dst(%dma_wait3A_170 : memref<632x64xf32, #tpu.memory_space<hbm>>)
        tpu.yield
      }) : () -> ()
      %mul3A_84 = arith.constant 632 : i32
      %mul3A_85 = arith.muli %arg1, %mul3A_84 : i32
      "tpu.region"() ({
        %run_scoped3A = tpu.sem_alloc : memref<!tpu.dma_semaphore, #tpu.memory_space<semaphore_mem>>
        %dma_start3A_163 = arith.constant 0 : i32
        %dma_start3A_164 = tpu.memref_slice %arg17[%mul3A_85, %dma_start3A_163] : memref<10112x64xf32, #tpu.memory_space<vmem_shared>> -> memref<632x64xf32, #tpu.memory_space<vmem_shared>>
        tpu.enqueue_dma source(%arg6 : memref<632x64xf32, #tpu.memory_space<hbm>>) target(%dma_start3A_164 : memref<632x64xf32, #tpu.memory_space<vmem_shared>>) target_semaphore(%run_scoped3A : memref<!tpu.dma_semaphore, #tpu.memory_space<semaphore_mem>>)
        %dma_wait3A_165 = arith.constant 0 : i32
        %dma_wait3A_166 = tpu.memref_slice %arg17[%mul3A_85, %dma_wait3A_165] : memref<10112x64xf32, #tpu.memory_space<vmem_shared>> -> memref<632x64xf32, #tpu.memory_space<vmem_shared>>
        tpu.wait_dma2 semaphore(%run_scoped3A : memref<!tpu.dma_semaphore, #tpu.memory_space<semaphore_mem>>) src(%arg6 : memref<632x64xf32, #tpu.memory_space<hbm>>) dst(%dma_wait3A_166 : memref<632x64xf32, #tpu.memory_space<vmem_shared>>)
        tpu.yield
      }) : () -> ()
      %barrier3A_86 = arith.constant 0 : index
      tpu.barrier barrier_id(%barrier3A_86)
      %dma_start3A_87 = arith.constant 1 : i32
      %dma_start3A_88 = arith.constant 0 : i32
      %dma_start3A_89 = arith.constant 0 : i32
      %dma_start3A_90 = tpu.memref_slice %arg10[%dma_start3A_88, %dma_start3A_89] : memref<80x128xi32, #tpu.memory_space<vmem>> -> memref<1x128xi32, #tpu.memory_space<vmem>>
      %dma_start3A_91 = tpu.memref_squeeze %dma_start3A_90 : memref<1x128xi32, #tpu.memory_space<vmem>> -> memref<128xi32, #tpu.memory_space<vmem>>
      %dma_start3A_92 = arith.constant 0 : i32
      %dma_start3A_93 = arith.constant 0 : i32
      %dma_start3A_94 = tpu.memref_slice %arg3[%dma_start3A_87, %dma_start3A_92, %dma_start3A_93] : memref<2x10000x64xf32, #tpu.memory_space<hbm>> -> memref<1x10000x64xf32, #tpu.memory_space<hbm>>
      %dma_start3A_95 = tpu.memref_squeeze %dma_start3A_94 : memref<1x10000x64xf32, #tpu.memory_space<hbm>> -> memref<10000x64xf32, #tpu.memory_space<hbm>>
      %dma_start3A_96 = arith.constant 0 : i32
      %dma_start3A_97 = arith.constant 0 : i32
      %dma_start3A_98 = tpu.memref_slice %dma_start3A_95[%dma_start3A_96, %dma_start3A_97] : memref<10000x64xf32, #tpu.memory_space<hbm>> -> memref<10000x64xf32, #tpu.memory_space<hbm>>
      tpu.enqueue_indirect_dma source(%dma_start3A_98 : memref<10000x64xf32, #tpu.memory_space<hbm>>) target(%arg13 : memref<128x64xf32, #tpu.memory_space<vmem>>) offsets(%dma_start3A_91 : memref<128xi32, #tpu.memory_space<vmem>>) semaphore(%arg18 : memref<!tpu.dma_semaphore, #tpu.memory_space<semaphore_mem>>)
      %dma_start3A_99 = arith.constant 1 : i32
      %dma_start3A_100 = arith.constant 1 : i32
      %dma_start3A_101 = arith.constant 0 : i32
      %dma_start3A_102 = tpu.memref_slice %arg10[%dma_start3A_100, %dma_start3A_101] : memref<80x128xi32, #tpu.memory_space<vmem>> -> memref<1x128xi32, #tpu.memory_space<vmem>>
      %dma_start3A_103 = tpu.memref_squeeze %dma_start3A_102 : memref<1x128xi32, #tpu.memory_space<vmem>> -> memref<128xi32, #tpu.memory_space<vmem>>
      %dma_start3A_104 = arith.constant 0 : i32
      %dma_start3A_105 = arith.constant 0 : i32
      %dma_start3A_106 = tpu.memref_slice %arg3[%dma_start3A_99, %dma_start3A_104, %dma_start3A_105] : memref<2x10000x64xf32, #tpu.memory_space<hbm>> -> memref<1x10000x64xf32, #tpu.memory_space<hbm>>
      %dma_start3A_107 = tpu.memref_squeeze %dma_start3A_106 : memref<1x10000x64xf32, #tpu.memory_space<hbm>> -> memref<10000x64xf32, #tpu.memory_space<hbm>>
      %dma_start3A_108 = arith.constant 0 : i32
      %dma_start3A_109 = arith.constant 0 : i32
      %dma_start3A_110 = tpu.memref_slice %dma_start3A_107[%dma_start3A_108, %dma_start3A_109] : memref<10000x64xf32, #tpu.memory_space<hbm>> -> memref<10000x64xf32, #tpu.memory_space<hbm>>
      tpu.enqueue_indirect_dma source(%dma_start3A_110 : memref<10000x64xf32, #tpu.memory_space<hbm>>) target(%arg14 : memref<128x64xf32, #tpu.memory_space<vmem>>) offsets(%dma_start3A_103 : memref<128xi32, #tpu.memory_space<vmem>>) semaphore(%arg19 : memref<!tpu.dma_semaphore, #tpu.memory_space<semaphore_mem>>)
      %dma_start3A_111 = arith.constant 1 : i32
      %dma_start3A_112 = arith.constant 2 : i32
      %dma_start3A_113 = arith.constant 0 : i32
      %dma_start3A_114 = tpu.memref_slice %arg10[%dma_start3A_112, %dma_start3A_113] : memref<80x128xi32, #tpu.memory_space<vmem>> -> memref<1x128xi32, #tpu.memory_space<vmem>>
      %dma_start3A_115 = tpu.memref_squeeze %dma_start3A_114 : memref<1x128xi32, #tpu.memory_space<vmem>> -> memref<128xi32, #tpu.memory_space<vmem>>
      %dma_start3A_116 = arith.constant 0 : i32
      %dma_start3A_117 = arith.constant 0 : i32
      %dma_start3A_118 = tpu.memref_slice %arg3[%dma_start3A_111, %dma_start3A_116, %dma_start3A_117] : memref<2x10000x64xf32, #tpu.memory_space<hbm>> -> memref<1x10000x64xf32, #tpu.memory_space<hbm>>
      %dma_start3A_119 = tpu.memref_squeeze %dma_start3A_118 : memref<1x10000x64xf32, #tpu.memory_space<hbm>> -> memref<10000x64xf32, #tpu.memory_space<hbm>>
      %dma_start3A_120 = arith.constant 0 : i32
      %dma_start3A_121 = arith.constant 0 : i32
      %dma_start3A_122 = tpu.memref_slice %dma_start3A_119[%dma_start3A_120, %dma_start3A_121] : memref<10000x64xf32, #tpu.memory_space<hbm>> -> memref<10000x64xf32, #tpu.memory_space<hbm>>
      tpu.enqueue_indirect_dma source(%dma_start3A_122 : memref<10000x64xf32, #tpu.memory_space<hbm>>) target(%arg15 : memref<128x64xf32, #tpu.memory_space<vmem>>) offsets(%dma_start3A_115 : memref<128xi32, #tpu.memory_space<vmem>>) semaphore(%arg20 : memref<!tpu.dma_semaphore, #tpu.memory_space<semaphore_mem>>)
      %scan3A_123 = arith.constant 0 : i32
      %scan3A_124 = arith.constant 1 : i32
      %scan3A_125 = arith.constant 0 : i32
      %scan3A_126 = arith.constant 80 : i32
      %scan3A_127 = arith.addi %scan3A_125, %scan3A_126 : i32
      %scan3A_128 = arith.constant 1 : i32
      scf.for %scan3A_163 = %scan3A_125 to %scan3A_127 step %scan3A_128  : i32 {
        %rem3A = arith.constant 4 : i32
        %rem3A_164 = arith.remsi %scan3A_163, %rem3A : i32
        %eq3A_165 = arith.constant 0 : i32
        %eq3A_166 = arith.cmpi eq, %rem3A_164, %eq3A_165 : i32
        %convert_element_type3A_167 = arith.extui %eq3A_166 : i1 to i32
        %cond3A_168 = arith.constant 0 : i32
        %cond3A_169 = arith.cmpi ne, %convert_element_type3A_167, %cond3A_168 : i32
        scf.if %cond3A_169 {
          %dma_wait3A_185 = arith.constant 0 : i32
          %dma_wait3A_186 = arith.constant 0 : i32
          %dma_wait3A_187 = tpu.memref_slice %arg10[%dma_wait3A_185, %dma_wait3A_186] : memref<80x128xi32, #tpu.memory_space<vmem>> -> memref<1x128xi32, #tpu.memory_space<vmem>>
          %dma_wait3A_188 = tpu.memref_squeeze %dma_wait3A_187 : memref<1x128xi32, #tpu.memory_space<vmem>> -> memref<128xi32, #tpu.memory_space<vmem>>
          %dma_wait3A_189 = arith.constant 0 : i32
          %dma_wait3A_190 = arith.constant 0 : i32
          %dma_wait3A_191 = tpu.memref_slice %arg3[%scan3A_124, %dma_wait3A_189, %dma_wait3A_190] : memref<2x10000x64xf32, #tpu.memory_space<hbm>> -> memref<1x10000x64xf32, #tpu.memory_space<hbm>>
          %dma_wait3A_192 = tpu.memref_squeeze %dma_wait3A_191 : memref<1x10000x64xf32, #tpu.memory_space<hbm>> -> memref<10000x64xf32, #tpu.memory_space<hbm>>
          %dma_wait3A_193 = arith.constant 0 : i32
          %dma_wait3A_194 = arith.constant 0 : i32
          %dma_wait3A_195 = tpu.memref_slice %dma_wait3A_192[%dma_wait3A_193, %dma_wait3A_194] : memref<10000x64xf32, #tpu.memory_space<hbm>> -> memref<10000x64xf32, #tpu.memory_space<hbm>>
          tpu.wait_indirect_dma semaphore(%arg18 : memref<!tpu.dma_semaphore, #tpu.memory_space<semaphore_mem>>) src(%dma_wait3A_195 : memref<10000x64xf32, #tpu.memory_space<hbm>>) dst(%arg13 : memref<128x64xf32, #tpu.memory_space<vmem>>)
          %dma_start3A_196 = arith.constant 0 : i32
          %dma_start3A_197 = tpu.memref_slice %arg11[%scan3A_163, %dma_start3A_196] : memref<80x128xi32, #tpu.memory_space<vmem>> -> memref<1x128xi32, #tpu.memory_space<vmem>>
          %dma_start3A_198 = tpu.memref_squeeze %dma_start3A_197 : memref<1x128xi32, #tpu.memory_space<vmem>> -> memref<128xi32, #tpu.memory_space<vmem>>
          %dma_start3A_199 = arith.constant 0 : i32
          %dma_start3A_200 = arith.constant 0 : i32
          %dma_start3A_201 = tpu.memref_slice %arg17[%dma_start3A_199, %dma_start3A_200] : memref<10112x64xf32, #tpu.memory_space<vmem_shared>> -> memref<10112x64xf32, #tpu.memory_space<vmem_shared>>
          tpu.enqueue_indirect_dma source(%arg13 : memref<128x64xf32, #tpu.memory_space<vmem>>) target(%dma_start3A_201 : memref<10112x64xf32, #tpu.memory_space<vmem_shared>>) offsets(%dma_start3A_198 : memref<128xi32, #tpu.memory_space<vmem>>) semaphore(%arg22 : memref<!tpu.dma_semaphore, #tpu.memory_space<semaphore_mem>>) {add = true}
          %add3A_202 = arith.constant 4 : i32
          %add3A_203 = arith.addi %scan3A_163, %add3A_202 : i32
          %sub3A = arith.constant 1 : i32
          %sub3A_204 = arith.subi %add3A_203, %sub3A : i32
          %lt3A = arith.constant 80 : i32
          %lt3A_205 = arith.cmpi slt, %sub3A_204, %lt3A : i32
          %convert_element_type3A_206 = arith.extui %lt3A_205 : i1 to i32
          %cond3A_207 = arith.constant 0 : i32
          %cond3A_208 = arith.cmpi ne, %convert_element_type3A_206, %cond3A_207 : i32
          scf.if %cond3A_208 {
            %ge3A = arith.constant 1 : i32
            %ge3A_209 = arith.cmpi sge, %scan3A_163, %ge3A : i32
            %convert_element_type3A_210 = arith.extui %ge3A_209 : i1 to i32
            %cond3A_211 = arith.constant 0 : i32
            %cond3A_212 = arith.cmpi ne, %convert_element_type3A_210, %cond3A_211 : i32
            scf.if %cond3A_212 {
              %dma_wait3A_227 = arith.constant 0 : i32
              %dma_wait3A_228 = arith.constant 0 : i32
              %dma_wait3A_229 = tpu.memref_slice %arg11[%dma_wait3A_227, %dma_wait3A_228] : memref<80x128xi32, #tpu.memory_space<vmem>> -> memref<1x128xi32, #tpu.memory_space<vmem>>
              %dma_wait3A_230 = tpu.memref_squeeze %dma_wait3A_229 : memref<1x128xi32, #tpu.memory_space<vmem>> -> memref<128xi32, #tpu.memory_space<vmem>>
              %dma_wait3A_231 = arith.constant 0 : i32
              %dma_wait3A_232 = arith.constant 0 : i32
              %dma_wait3A_233 = tpu.memref_slice %arg17[%dma_wait3A_231, %dma_wait3A_232] : memref<10112x64xf32, #tpu.memory_space<vmem_shared>> -> memref<10112x64xf32, #tpu.memory_space<vmem_shared>>
              tpu.wait_indirect_dma semaphore(%arg25 : memref<!tpu.dma_semaphore, #tpu.memory_space<semaphore_mem>>) src(%arg16 : memref<128x64xf32, #tpu.memory_space<vmem>>) dst(%dma_wait3A_233 : memref<10112x64xf32, #tpu.memory_space<vmem_shared>>)
            } else {
            }
            %add3A_213 = arith.constant 4 : i32
            %add3A_214 = arith.addi %scan3A_163, %add3A_213 : i32
            %sub3A_215 = arith.constant 1 : i32
            %sub3A_216 = arith.subi %add3A_214, %sub3A_215 : i32
            %dma_start3A_217 = arith.constant 0 : i32
            %dma_start3A_218 = tpu.memref_slice %arg10[%sub3A_216, %dma_start3A_217] : memref<80x128xi32, #tpu.memory_space<vmem>> -> memref<1x128xi32, #tpu.memory_space<vmem>>
            %dma_start3A_219 = tpu.memref_squeeze %dma_start3A_218 : memref<1x128xi32, #tpu.memory_space<vmem>> -> memref<128xi32, #tpu.memory_space<vmem>>
            %dma_start3A_220 = arith.constant 0 : i32
            %dma_start3A_221 = arith.constant 0 : i32
            %dma_start3A_222 = tpu.memref_slice %arg3[%scan3A_124, %dma_start3A_220, %dma_start3A_221] : memref<2x10000x64xf32, #tpu.memory_space<hbm>> -> memref<1x10000x64xf32, #tpu.memory_space<hbm>>
            %dma_start3A_223 = tpu.memref_squeeze %dma_start3A_222 : memref<1x10000x64xf32, #tpu.memory_space<hbm>> -> memref<10000x64xf32, #tpu.memory_space<hbm>>
            %dma_start3A_224 = arith.constant 0 : i32
            %dma_start3A_225 = arith.constant 0 : i32
            %dma_start3A_226 = tpu.memref_slice %dma_start3A_223[%dma_start3A_224, %dma_start3A_225] : memref<10000x64xf32, #tpu.memory_space<hbm>> -> memref<10000x64xf32, #tpu.memory_space<hbm>>
            tpu.enqueue_indirect_dma source(%dma_start3A_226 : memref<10000x64xf32, #tpu.memory_space<hbm>>) target(%arg16 : memref<128x64xf32, #tpu.memory_space<vmem>>) offsets(%dma_start3A_219 : memref<128xi32, #tpu.memory_space<vmem>>) semaphore(%arg21 : memref<!tpu.dma_semaphore, #tpu.memory_space<semaphore_mem>>)
          } else {
          }
        } else {
        }
        %eq3A_170 = arith.constant 1 : i32
        %eq3A_171 = arith.cmpi eq, %rem3A_164, %eq3A_170 : i32
        %convert_element_type3A_172 = arith.extui %eq3A_171 : i1 to i32
        %cond3A_173 = arith.constant 0 : i32
        %cond3A_174 = arith.cmpi ne, %convert_element_type3A_172, %cond3A_173 : i32
        scf.if %cond3A_174 {
          %dma_wait3A_185 = arith.constant 0 : i32
          %dma_wait3A_186 = arith.constant 0 : i32
          %dma_wait3A_187 = tpu.memref_slice %arg10[%dma_wait3A_185, %dma_wait3A_186] : memref<80x128xi32, #tpu.memory_space<vmem>> -> memref<1x128xi32, #tpu.memory_space<vmem>>
          %dma_wait3A_188 = tpu.memref_squeeze %dma_wait3A_187 : memref<1x128xi32, #tpu.memory_space<vmem>> -> memref<128xi32, #tpu.memory_space<vmem>>
          %dma_wait3A_189 = arith.constant 0 : i32
          %dma_wait3A_190 = arith.constant 0 : i32
          %dma_wait3A_191 = tpu.memref_slice %arg3[%scan3A_124, %dma_wait3A_189, %dma_wait3A_190] : memref<2x10000x64xf32, #tpu.memory_space<hbm>> -> memref<1x10000x64xf32, #tpu.memory_space<hbm>>
          %dma_wait3A_192 = tpu.memref_squeeze %dma_wait3A_191 : memref<1x10000x64xf32, #tpu.memory_space<hbm>> -> memref<10000x64xf32, #tpu.memory_space<hbm>>
          %dma_wait3A_193 = arith.constant 0 : i32
          %dma_wait3A_194 = arith.constant 0 : i32
          %dma_wait3A_195 = tpu.memref_slice %dma_wait3A_192[%dma_wait3A_193, %dma_wait3A_194] : memref<10000x64xf32, #tpu.memory_space<hbm>> -> memref<10000x64xf32, #tpu.memory_space<hbm>>
          tpu.wait_indirect_dma semaphore(%arg19 : memref<!tpu.dma_semaphore, #tpu.memory_space<semaphore_mem>>) src(%dma_wait3A_195 : memref<10000x64xf32, #tpu.memory_space<hbm>>) dst(%arg14 : memref<128x64xf32, #tpu.memory_space<vmem>>)
          %dma_start3A_196 = arith.constant 0 : i32
          %dma_start3A_197 = tpu.memref_slice %arg11[%scan3A_163, %dma_start3A_196] : memref<80x128xi32, #tpu.memory_space<vmem>> -> memref<1x128xi32, #tpu.memory_space<vmem>>
          %dma_start3A_198 = tpu.memref_squeeze %dma_start3A_197 : memref<1x128xi32, #tpu.memory_space<vmem>> -> memref<128xi32, #tpu.memory_space<vmem>>
          %dma_start3A_199 = arith.constant 0 : i32
          %dma_start3A_200 = arith.constant 0 : i32
          %dma_start3A_201 = tpu.memref_slice %arg17[%dma_start3A_199, %dma_start3A_200] : memref<10112x64xf32, #tpu.memory_space<vmem_shared>> -> memref<10112x64xf32, #tpu.memory_space<vmem_shared>>
          tpu.enqueue_indirect_dma source(%arg14 : memref<128x64xf32, #tpu.memory_space<vmem>>) target(%dma_start3A_201 : memref<10112x64xf32, #tpu.memory_space<vmem_shared>>) offsets(%dma_start3A_198 : memref<128xi32, #tpu.memory_space<vmem>>) semaphore(%arg23 : memref<!tpu.dma_semaphore, #tpu.memory_space<semaphore_mem>>) {add = true}
          %add3A_202 = arith.constant 4 : i32
          %add3A_203 = arith.addi %scan3A_163, %add3A_202 : i32
          %sub3A = arith.constant 1 : i32
          %sub3A_204 = arith.subi %add3A_203, %sub3A : i32
          %lt3A = arith.constant 80 : i32
          %lt3A_205 = arith.cmpi slt, %sub3A_204, %lt3A : i32
          %convert_element_type3A_206 = arith.extui %lt3A_205 : i1 to i32
          %cond3A_207 = arith.constant 0 : i32
          %cond3A_208 = arith.cmpi ne, %convert_element_type3A_206, %cond3A_207 : i32
          scf.if %cond3A_208 {
            %ge3A = arith.constant 1 : i32
            %ge3A_209 = arith.cmpi sge, %scan3A_163, %ge3A : i32
            %convert_element_type3A_210 = arith.extui %ge3A_209 : i1 to i32
            %cond3A_211 = arith.constant 0 : i32
            %cond3A_212 = arith.cmpi ne, %convert_element_type3A_210, %cond3A_211 : i32
            scf.if %cond3A_212 {
              %dma_wait3A_227 = arith.constant 0 : i32
              %dma_wait3A_228 = arith.constant 0 : i32
              %dma_wait3A_229 = tpu.memref_slice %arg11[%dma_wait3A_227, %dma_wait3A_228] : memref<80x128xi32, #tpu.memory_space<vmem>> -> memref<1x128xi32, #tpu.memory_space<vmem>>
              %dma_wait3A_230 = tpu.memref_squeeze %dma_wait3A_229 : memref<1x128xi32, #tpu.memory_space<vmem>> -> memref<128xi32, #tpu.memory_space<vmem>>
              %dma_wait3A_231 = arith.constant 0 : i32
              %dma_wait3A_232 = arith.constant 0 : i32
              %dma_wait3A_233 = tpu.memref_slice %arg17[%dma_wait3A_231, %dma_wait3A_232] : memref<10112x64xf32, #tpu.memory_space<vmem_shared>> -> memref<10112x64xf32, #tpu.memory_space<vmem_shared>>
              tpu.wait_indirect_dma semaphore(%arg22 : memref<!tpu.dma_semaphore, #tpu.memory_space<semaphore_mem>>) src(%arg13 : memref<128x64xf32, #tpu.memory_space<vmem>>) dst(%dma_wait3A_233 : memref<10112x64xf32, #tpu.memory_space<vmem_shared>>)
            } else {
            }
            %add3A_213 = arith.constant 4 : i32
            %add3A_214 = arith.addi %scan3A_163, %add3A_213 : i32
            %sub3A_215 = arith.constant 1 : i32
            %sub3A_216 = arith.subi %add3A_214, %sub3A_215 : i32
            %dma_start3A_217 = arith.constant 0 : i32
            %dma_start3A_218 = tpu.memref_slice %arg10[%sub3A_216, %dma_start3A_217] : memref<80x128xi32, #tpu.memory_space<vmem>> -> memref<1x128xi32, #tpu.memory_space<vmem>>
            %dma_start3A_219 = tpu.memref_squeeze %dma_start3A_218 : memref<1x128xi32, #tpu.memory_space<vmem>> -> memref<128xi32, #tpu.memory_space<vmem>>
            %dma_start3A_220 = arith.constant 0 : i32
            %dma_start3A_221 = arith.constant 0 : i32
            %dma_start3A_222 = tpu.memref_slice %arg3[%scan3A_124, %dma_start3A_220, %dma_start3A_221] : memref<2x10000x64xf32, #tpu.memory_space<hbm>> -> memref<1x10000x64xf32, #tpu.memory_space<hbm>>
            %dma_start3A_223 = tpu.memref_squeeze %dma_start3A_222 : memref<1x10000x64xf32, #tpu.memory_space<hbm>> -> memref<10000x64xf32, #tpu.memory_space<hbm>>
            %dma_start3A_224 = arith.constant 0 : i32
            %dma_start3A_225 = arith.constant 0 : i32
            %dma_start3A_226 = tpu.memref_slice %dma_start3A_223[%dma_start3A_224, %dma_start3A_225] : memref<10000x64xf32, #tpu.memory_space<hbm>> -> memref<10000x64xf32, #tpu.memory_space<hbm>>
            tpu.enqueue_indirect_dma source(%dma_start3A_226 : memref<10000x64xf32, #tpu.memory_space<hbm>>) target(%arg13 : memref<128x64xf32, #tpu.memory_space<vmem>>) offsets(%dma_start3A_219 : memref<128xi32, #tpu.memory_space<vmem>>) semaphore(%arg18 : memref<!tpu.dma_semaphore, #tpu.memory_space<semaphore_mem>>)
          } else {
          }
        } else {
        }
        %eq3A_175 = arith.constant 2 : i32
        %eq3A_176 = arith.cmpi eq, %rem3A_164, %eq3A_175 : i32
        %convert_element_type3A_177 = arith.extui %eq3A_176 : i1 to i32
        %cond3A_178 = arith.constant 0 : i32
        %cond3A_179 = arith.cmpi ne, %convert_element_type3A_177, %cond3A_178 : i32
        scf.if %cond3A_179 {
          %dma_wait3A_185 = arith.constant 0 : i32
          %dma_wait3A_186 = arith.constant 0 : i32
          %dma_wait3A_187 = tpu.memref_slice %arg10[%dma_wait3A_185, %dma_wait3A_186] : memref<80x128xi32, #tpu.memory_space<vmem>> -> memref<1x128xi32, #tpu.memory_space<vmem>>
          %dma_wait3A_188 = tpu.memref_squeeze %dma_wait3A_187 : memref<1x128xi32, #tpu.memory_space<vmem>> -> memref<128xi32, #tpu.memory_space<vmem>>
          %dma_wait3A_189 = arith.constant 0 : i32
          %dma_wait3A_190 = arith.constant 0 : i32
          %dma_wait3A_191 = tpu.memref_slice %arg3[%scan3A_124, %dma_wait3A_189, %dma_wait3A_190] : memref<2x10000x64xf32, #tpu.memory_space<hbm>> -> memref<1x10000x64xf32, #tpu.memory_space<hbm>>
          %dma_wait3A_192 = tpu.memref_squeeze %dma_wait3A_191 : memref<1x10000x64xf32, #tpu.memory_space<hbm>> -> memref<10000x64xf32, #tpu.memory_space<hbm>>
          %dma_wait3A_193 = arith.constant 0 : i32
          %dma_wait3A_194 = arith.constant 0 : i32
          %dma_wait3A_195 = tpu.memref_slice %dma_wait3A_192[%dma_wait3A_193, %dma_wait3A_194] : memref<10000x64xf32, #tpu.memory_space<hbm>> -> memref<10000x64xf32, #tpu.memory_space<hbm>>
          tpu.wait_indirect_dma semaphore(%arg20 : memref<!tpu.dma_semaphore, #tpu.memory_space<semaphore_mem>>) src(%dma_wait3A_195 : memref<10000x64xf32, #tpu.memory_space<hbm>>) dst(%arg15 : memref<128x64xf32, #tpu.memory_space<vmem>>)
          %dma_start3A_196 = arith.constant 0 : i32
          %dma_start3A_197 = tpu.memref_slice %arg11[%scan3A_163, %dma_start3A_196] : memref<80x128xi32, #tpu.memory_space<vmem>> -> memref<1x128xi32, #tpu.memory_space<vmem>>
          %dma_start3A_198 = tpu.memref_squeeze %dma_start3A_197 : memref<1x128xi32, #tpu.memory_space<vmem>> -> memref<128xi32, #tpu.memory_space<vmem>>
          %dma_start3A_199 = arith.constant 0 : i32
          %dma_start3A_200 = arith.constant 0 : i32
          %dma_start3A_201 = tpu.memref_slice %arg17[%dma_start3A_199, %dma_start3A_200] : memref<10112x64xf32, #tpu.memory_space<vmem_shared>> -> memref<10112x64xf32, #tpu.memory_space<vmem_shared>>
          tpu.enqueue_indirect_dma source(%arg15 : memref<128x64xf32, #tpu.memory_space<vmem>>) target(%dma_start3A_201 : memref<10112x64xf32, #tpu.memory_space<vmem_shared>>) offsets(%dma_start3A_198 : memref<128xi32, #tpu.memory_space<vmem>>) semaphore(%arg24 : memref<!tpu.dma_semaphore, #tpu.memory_space<semaphore_mem>>) {add = true}
          %add3A_202 = arith.constant 4 : i32
          %add3A_203 = arith.addi %scan3A_163, %add3A_202 : i32
          %sub3A = arith.constant 1 : i32
          %sub3A_204 = arith.subi %add3A_203, %sub3A : i32
          %lt3A = arith.constant 80 : i32
          %lt3A_205 = arith.cmpi slt, %sub3A_204, %lt3A : i32
          %convert_element_type3A_206 = arith.extui %lt3A_205 : i1 to i32
          %cond3A_207 = arith.constant 0 : i32
          %cond3A_208 = arith.cmpi ne, %convert_element_type3A_206, %cond3A_207 : i32
          scf.if %cond3A_208 {
            %ge3A = arith.constant 1 : i32
            %ge3A_209 = arith.cmpi sge, %scan3A_163, %ge3A : i32
            %convert_element_type3A_210 = arith.extui %ge3A_209 : i1 to i32
            %cond3A_211 = arith.constant 0 : i32
            %cond3A_212 = arith.cmpi ne, %convert_element_type3A_210, %cond3A_211 : i32
            scf.if %cond3A_212 {
              %dma_wait3A_227 = arith.constant 0 : i32
              %dma_wait3A_228 = arith.constant 0 : i32
              %dma_wait3A_229 = tpu.memref_slice %arg11[%dma_wait3A_227, %dma_wait3A_228] : memref<80x128xi32, #tpu.memory_space<vmem>> -> memref<1x128xi32, #tpu.memory_space<vmem>>
              %dma_wait3A_230 = tpu.memref_squeeze %dma_wait3A_229 : memref<1x128xi32, #tpu.memory_space<vmem>> -> memref<128xi32, #tpu.memory_space<vmem>>
              %dma_wait3A_231 = arith.constant 0 : i32
              %dma_wait3A_232 = arith.constant 0 : i32
              %dma_wait3A_233 = tpu.memref_slice %arg17[%dma_wait3A_231, %dma_wait3A_232] : memref<10112x64xf32, #tpu.memory_space<vmem_shared>> -> memref<10112x64xf32, #tpu.memory_space<vmem_shared>>
              tpu.wait_indirect_dma semaphore(%arg23 : memref<!tpu.dma_semaphore, #tpu.memory_space<semaphore_mem>>) src(%arg14 : memref<128x64xf32, #tpu.memory_space<vmem>>) dst(%dma_wait3A_233 : memref<10112x64xf32, #tpu.memory_space<vmem_shared>>)
            } else {
            }
            %add3A_213 = arith.constant 4 : i32
            %add3A_214 = arith.addi %scan3A_163, %add3A_213 : i32
            %sub3A_215 = arith.constant 1 : i32
            %sub3A_216 = arith.subi %add3A_214, %sub3A_215 : i32
            %dma_start3A_217 = arith.constant 0 : i32
            %dma_start3A_218 = tpu.memref_slice %arg10[%sub3A_216, %dma_start3A_217] : memref<80x128xi32, #tpu.memory_space<vmem>> -> memref<1x128xi32, #tpu.memory_space<vmem>>
            %dma_start3A_219 = tpu.memref_squeeze %dma_start3A_218 : memref<1x128xi32, #tpu.memory_space<vmem>> -> memref<128xi32, #tpu.memory_space<vmem>>
            %dma_start3A_220 = arith.constant 0 : i32
            %dma_start3A_221 = arith.constant 0 : i32
            %dma_start3A_222 = tpu.memref_slice %arg3[%scan3A_124, %dma_start3A_220, %dma_start3A_221] : memref<2x10000x64xf32, #tpu.memory_space<hbm>> -> memref<1x10000x64xf32, #tpu.memory_space<hbm>>
            %dma_start3A_223 = tpu.memref_squeeze %dma_start3A_222 : memref<1x10000x64xf32, #tpu.memory_space<hbm>> -> memref<10000x64xf32, #tpu.memory_space<hbm>>
            %dma_start3A_224 = arith.constant 0 : i32
            %dma_start3A_225 = arith.constant 0 : i32
            %dma_start3A_226 = tpu.memref_slice %dma_start3A_223[%dma_start3A_224, %dma_start3A_225] : memref<10000x64xf32, #tpu.memory_space<hbm>> -> memref<10000x64xf32, #tpu.memory_space<hbm>>
            tpu.enqueue_indirect_dma source(%dma_start3A_226 : memref<10000x64xf32, #tpu.memory_space<hbm>>) target(%arg14 : memref<128x64xf32, #tpu.memory_space<vmem>>) offsets(%dma_start3A_219 : memref<128xi32, #tpu.memory_space<vmem>>) semaphore(%arg19 : memref<!tpu.dma_semaphore, #tpu.memory_space<semaphore_mem>>)
          } else {
          }
        } else {
        }
        %eq3A_180 = arith.constant 3 : i32
        %eq3A_181 = arith.cmpi eq, %rem3A_164, %eq3A_180 : i32
        %convert_element_type3A_182 = arith.extui %eq3A_181 : i1 to i32
        %cond3A_183 = arith.constant 0 : i32
        %cond3A_184 = arith.cmpi ne, %convert_element_type3A_182, %cond3A_183 : i32
        scf.if %cond3A_184 {
          %dma_wait3A_185 = arith.constant 0 : i32
          %dma_wait3A_186 = arith.constant 0 : i32
          %dma_wait3A_187 = tpu.memref_slice %arg10[%dma_wait3A_185, %dma_wait3A_186] : memref<80x128xi32, #tpu.memory_space<vmem>> -> memref<1x128xi32, #tpu.memory_space<vmem>>
          %dma_wait3A_188 = tpu.memref_squeeze %dma_wait3A_187 : memref<1x128xi32, #tpu.memory_space<vmem>> -> memref<128xi32, #tpu.memory_space<vmem>>
          %dma_wait3A_189 = arith.constant 0 : i32
          %dma_wait3A_190 = arith.constant 0 : i32
          %dma_wait3A_191 = tpu.memref_slice %arg3[%scan3A_124, %dma_wait3A_189, %dma_wait3A_190] : memref<2x10000x64xf32, #tpu.memory_space<hbm>> -> memref<1x10000x64xf32, #tpu.memory_space<hbm>>
          %dma_wait3A_192 = tpu.memref_squeeze %dma_wait3A_191 : memref<1x10000x64xf32, #tpu.memory_space<hbm>> -> memref<10000x64xf32, #tpu.memory_space<hbm>>
          %dma_wait3A_193 = arith.constant 0 : i32
          %dma_wait3A_194 = arith.constant 0 : i32
          %dma_wait3A_195 = tpu.memref_slice %dma_wait3A_192[%dma_wait3A_193, %dma_wait3A_194] : memref<10000x64xf32, #tpu.memory_space<hbm>> -> memref<10000x64xf32, #tpu.memory_space<hbm>>
          tpu.wait_indirect_dma semaphore(%arg21 : memref<!tpu.dma_semaphore, #tpu.memory_space<semaphore_mem>>) src(%dma_wait3A_195 : memref<10000x64xf32, #tpu.memory_space<hbm>>) dst(%arg16 : memref<128x64xf32, #tpu.memory_space<vmem>>)
          %dma_start3A_196 = arith.constant 0 : i32
          %dma_start3A_197 = tpu.memref_slice %arg11[%scan3A_163, %dma_start3A_196] : memref<80x128xi32, #tpu.memory_space<vmem>> -> memref<1x128xi32, #tpu.memory_space<vmem>>
          %dma_start3A_198 = tpu.memref_squeeze %dma_start3A_197 : memref<1x128xi32, #tpu.memory_space<vmem>> -> memref<128xi32, #tpu.memory_space<vmem>>
          %dma_start3A_199 = arith.constant 0 : i32
          %dma_start3A_200 = arith.constant 0 : i32
          %dma_start3A_201 = tpu.memref_slice %arg17[%dma_start3A_199, %dma_start3A_200] : memref<10112x64xf32, #tpu.memory_space<vmem_shared>> -> memref<10112x64xf32, #tpu.memory_space<vmem_shared>>
          tpu.enqueue_indirect_dma source(%arg16 : memref<128x64xf32, #tpu.memory_space<vmem>>) target(%dma_start3A_201 : memref<10112x64xf32, #tpu.memory_space<vmem_shared>>) offsets(%dma_start3A_198 : memref<128xi32, #tpu.memory_space<vmem>>) semaphore(%arg25 : memref<!tpu.dma_semaphore, #tpu.memory_space<semaphore_mem>>) {add = true}
          %add3A_202 = arith.constant 4 : i32
          %add3A_203 = arith.addi %scan3A_163, %add3A_202 : i32
          %sub3A = arith.constant 1 : i32
          %sub3A_204 = arith.subi %add3A_203, %sub3A : i32
          %lt3A = arith.constant 80 : i32
          %lt3A_205 = arith.cmpi slt, %sub3A_204, %lt3A : i32
          %convert_element_type3A_206 = arith.extui %lt3A_205 : i1 to i32
          %cond3A_207 = arith.constant 0 : i32
          %cond3A_208 = arith.cmpi ne, %convert_element_type3A_206, %cond3A_207 : i32
          scf.if %cond3A_208 {
            %ge3A = arith.constant 1 : i32
            %ge3A_209 = arith.cmpi sge, %scan3A_163, %ge3A : i32
            %convert_element_type3A_210 = arith.extui %ge3A_209 : i1 to i32
            %cond3A_211 = arith.constant 0 : i32
            %cond3A_212 = arith.cmpi ne, %convert_element_type3A_210, %cond3A_211 : i32
            scf.if %cond3A_212 {
              %dma_wait3A_227 = arith.constant 0 : i32
              %dma_wait3A_228 = arith.constant 0 : i32
              %dma_wait3A_229 = tpu.memref_slice %arg11[%dma_wait3A_227, %dma_wait3A_228] : memref<80x128xi32, #tpu.memory_space<vmem>> -> memref<1x128xi32, #tpu.memory_space<vmem>>
              %dma_wait3A_230 = tpu.memref_squeeze %dma_wait3A_229 : memref<1x128xi32, #tpu.memory_space<vmem>> -> memref<128xi32, #tpu.memory_space<vmem>>
              %dma_wait3A_231 = arith.constant 0 : i32
              %dma_wait3A_232 = arith.constant 0 : i32
              %dma_wait3A_233 = tpu.memref_slice %arg17[%dma_wait3A_231, %dma_wait3A_232] : memref<10112x64xf32, #tpu.memory_space<vmem_shared>> -> memref<10112x64xf32, #tpu.memory_space<vmem_shared>>
              tpu.wait_indirect_dma semaphore(%arg24 : memref<!tpu.dma_semaphore, #tpu.memory_space<semaphore_mem>>) src(%arg15 : memref<128x64xf32, #tpu.memory_space<vmem>>) dst(%dma_wait3A_233 : memref<10112x64xf32, #tpu.memory_space<vmem_shared>>)
            } else {
            }
            %add3A_213 = arith.constant 4 : i32
            %add3A_214 = arith.addi %scan3A_163, %add3A_213 : i32
            %sub3A_215 = arith.constant 1 : i32
            %sub3A_216 = arith.subi %add3A_214, %sub3A_215 : i32
            %dma_start3A_217 = arith.constant 0 : i32
            %dma_start3A_218 = tpu.memref_slice %arg10[%sub3A_216, %dma_start3A_217] : memref<80x128xi32, #tpu.memory_space<vmem>> -> memref<1x128xi32, #tpu.memory_space<vmem>>
            %dma_start3A_219 = tpu.memref_squeeze %dma_start3A_218 : memref<1x128xi32, #tpu.memory_space<vmem>> -> memref<128xi32, #tpu.memory_space<vmem>>
            %dma_start3A_220 = arith.constant 0 : i32
            %dma_start3A_221 = arith.constant 0 : i32
            %dma_start3A_222 = tpu.memref_slice %arg3[%scan3A_124, %dma_start3A_220, %dma_start3A_221] : memref<2x10000x64xf32, #tpu.memory_space<hbm>> -> memref<1x10000x64xf32, #tpu.memory_space<hbm>>
            %dma_start3A_223 = tpu.memref_squeeze %dma_start3A_222 : memref<1x10000x64xf32, #tpu.memory_space<hbm>> -> memref<10000x64xf32, #tpu.memory_space<hbm>>
            %dma_start3A_224 = arith.constant 0 : i32
            %dma_start3A_225 = arith.constant 0 : i32
            %dma_start3A_226 = tpu.memref_slice %dma_start3A_223[%dma_start3A_224, %dma_start3A_225] : memref<10000x64xf32, #tpu.memory_space<hbm>> -> memref<10000x64xf32, #tpu.memory_space<hbm>>
            tpu.enqueue_indirect_dma source(%dma_start3A_226 : memref<10000x64xf32, #tpu.memory_space<hbm>>) target(%arg15 : memref<128x64xf32, #tpu.memory_space<vmem>>) offsets(%dma_start3A_219 : memref<128xi32, #tpu.memory_space<vmem>>) semaphore(%arg20 : memref<!tpu.dma_semaphore, #tpu.memory_space<semaphore_mem>>)
          } else {
          }
        } else {
        }
      }
      %scan3A_129 = arith.constant 80 : i32
      %dma_wait3A_130 = arith.constant 0 : i32
      %dma_wait3A_131 = arith.constant 0 : i32
      %dma_wait3A_132 = tpu.memref_slice %arg11[%dma_wait3A_130, %dma_wait3A_131] : memref<80x128xi32, #tpu.memory_space<vmem>> -> memref<1x128xi32, #tpu.memory_space<vmem>>
      %dma_wait3A_133 = tpu.memref_squeeze %dma_wait3A_132 : memref<1x128xi32, #tpu.memory_space<vmem>> -> memref<128xi32, #tpu.memory_space<vmem>>
      %dma_wait3A_134 = arith.constant 0 : i32
      %dma_wait3A_135 = arith.constant 0 : i32
      %dma_wait3A_136 = tpu.memref_slice %arg17[%dma_wait3A_134, %dma_wait3A_135] : memref<10112x64xf32, #tpu.memory_space<vmem_shared>> -> memref<10112x64xf32, #tpu.memory_space<vmem_shared>>
      tpu.wait_indirect_dma semaphore(%arg22 : memref<!tpu.dma_semaphore, #tpu.memory_space<semaphore_mem>>) src(%arg13 : memref<128x64xf32, #tpu.memory_space<vmem>>) dst(%dma_wait3A_136 : memref<10112x64xf32, #tpu.memory_space<vmem_shared>>)
      %dma_wait3A_137 = arith.constant 0 : i32
      %dma_wait3A_138 = arith.constant 0 : i32
      %dma_wait3A_139 = tpu.memref_slice %arg11[%dma_wait3A_137, %dma_wait3A_138] : memref<80x128xi32, #tpu.memory_space<vmem>> -> memref<1x128xi32, #tpu.memory_space<vmem>>
      %dma_wait3A_140 = tpu.memref_squeeze %dma_wait3A_139 : memref<1x128xi32, #tpu.memory_space<vmem>> -> memref<128xi32, #tpu.memory_space<vmem>>
      %dma_wait3A_141 = arith.constant 0 : i32
      %dma_wait3A_142 = arith.constant 0 : i32
      %dma_wait3A_143 = tpu.memref_slice %arg17[%dma_wait3A_141, %dma_wait3A_142] : memref<10112x64xf32, #tpu.memory_space<vmem_shared>> -> memref<10112x64xf32, #tpu.memory_space<vmem_shared>>
      tpu.wait_indirect_dma semaphore(%arg23 : memref<!tpu.dma_semaphore, #tpu.memory_space<semaphore_mem>>) src(%arg14 : memref<128x64xf32, #tpu.memory_space<vmem>>) dst(%dma_wait3A_143 : memref<10112x64xf32, #tpu.memory_space<vmem_shared>>)
      %dma_wait3A_144 = arith.constant 0 : i32
      %dma_wait3A_145 = arith.constant 0 : i32
      %dma_wait3A_146 = tpu.memref_slice %arg11[%dma_wait3A_144, %dma_wait3A_145] : memref<80x128xi32, #tpu.memory_space<vmem>> -> memref<1x128xi32, #tpu.memory_space<vmem>>
      %dma_wait3A_147 = tpu.memref_squeeze %dma_wait3A_146 : memref<1x128xi32, #tpu.memory_space<vmem>> -> memref<128xi32, #tpu.memory_space<vmem>>
      %dma_wait3A_148 = arith.constant 0 : i32
      %dma_wait3A_149 = arith.constant 0 : i32
      %dma_wait3A_150 = tpu.memref_slice %arg17[%dma_wait3A_148, %dma_wait3A_149] : memref<10112x64xf32, #tpu.memory_space<vmem_shared>> -> memref<10112x64xf32, #tpu.memory_space<vmem_shared>>
      tpu.wait_indirect_dma semaphore(%arg24 : memref<!tpu.dma_semaphore, #tpu.memory_space<semaphore_mem>>) src(%arg15 : memref<128x64xf32, #tpu.memory_space<vmem>>) dst(%dma_wait3A_150 : memref<10112x64xf32, #tpu.memory_space<vmem_shared>>)
      %dma_wait3A_151 = arith.constant 0 : i32
      %dma_wait3A_152 = arith.constant 0 : i32
      %dma_wait3A_153 = tpu.memref_slice %arg11[%dma_wait3A_151, %dma_wait3A_152] : memref<80x128xi32, #tpu.memory_space<vmem>> -> memref<1x128xi32, #tpu.memory_space<vmem>>
      %dma_wait3A_154 = tpu.memref_squeeze %dma_wait3A_153 : memref<1x128xi32, #tpu.memory_space<vmem>> -> memref<128xi32, #tpu.memory_space<vmem>>
      %dma_wait3A_155 = arith.constant 0 : i32
      %dma_wait3A_156 = arith.constant 0 : i32
      %dma_wait3A_157 = tpu.memref_slice %arg17[%dma_wait3A_155, %dma_wait3A_156] : memref<10112x64xf32, #tpu.memory_space<vmem_shared>> -> memref<10112x64xf32, #tpu.memory_space<vmem_shared>>
      tpu.wait_indirect_dma semaphore(%arg25 : memref<!tpu.dma_semaphore, #tpu.memory_space<semaphore_mem>>) src(%arg16 : memref<128x64xf32, #tpu.memory_space<vmem>>) dst(%dma_wait3A_157 : memref<10112x64xf32, #tpu.memory_space<vmem_shared>>)
      %barrier3A_158 = arith.constant 0 : index
      tpu.barrier barrier_id(%barrier3A_158)
      %mul3A_159 = arith.constant 632 : i32
      %mul3A_160 = arith.muli %arg1, %mul3A_159 : i32
      %mul3A_161 = arith.constant 632 : i32
      %mul3A_162 = arith.muli %arg1, %mul3A_161 : i32
      "tpu.region"() ({
        %run_scoped3A = tpu.sem_alloc : memref<!tpu.dma_semaphore, #tpu.memory_space<semaphore_mem>>
        %dma_start3A_163 = arith.constant 64 : i32
        %dma_start3A_164 = tpu.memref_slice %arg8[%arg0, %mul3A_162, %dma_start3A_163] : memref<2x10112x128xf32, #tpu.memory_space<hbm>> -> memref<1x632x64xf32, #tpu.memory_space<hbm>>
        %dma_start3A_165 = tpu.memref_squeeze %dma_start3A_164 : memref<1x632x64xf32, #tpu.memory_space<hbm>> -> memref<632x64xf32, #tpu.memory_space<hbm>>
        %dma_start3A_166 = arith.constant 0 : i32
        %dma_start3A_167 = tpu.memref_slice %arg17[%mul3A_160, %dma_start3A_166] : memref<10112x64xf32, #tpu.memory_space<vmem_shared>> -> memref<632x64xf32, #tpu.memory_space<vmem_shared>>
        tpu.enqueue_dma source(%dma_start3A_167 : memref<632x64xf32, #tpu.memory_space<vmem_shared>>) target(%dma_start3A_165 : memref<632x64xf32, #tpu.memory_space<hbm>>) target_semaphore(%run_scoped3A : memref<!tpu.dma_semaphore, #tpu.memory_space<semaphore_mem>>)
        %dma_wait3A_168 = arith.constant 64 : i32
        %dma_wait3A_169 = tpu.memref_slice %arg8[%arg0, %mul3A_162, %dma_wait3A_168] : memref<2x10112x128xf32, #tpu.memory_space<hbm>> -> memref<1x632x64xf32, #tpu.memory_space<hbm>>
        %dma_wait3A_170 = tpu.memref_squeeze %dma_wait3A_169 : memref<1x632x64xf32, #tpu.memory_space<hbm>> -> memref<632x64xf32, #tpu.memory_space<hbm>>
        %dma_wait3A_171 = arith.constant 0 : i32
        %dma_wait3A_172 = tpu.memref_slice %arg17[%mul3A_160, %dma_wait3A_171] : memref<10112x64xf32, #tpu.memory_space<vmem_shared>> -> memref<632x64xf32, #tpu.memory_space<vmem_shared>>
        tpu.wait_dma2 semaphore(%run_scoped3A : memref<!tpu.dma_semaphore, #tpu.memory_space<semaphore_mem>>) src(%dma_wait3A_172 : memref<632x64xf32, #tpu.memory_space<vmem_shared>>) dst(%dma_wait3A_170 : memref<632x64xf32, #tpu.memory_space<hbm>>)
        tpu.yield
      }) : () -> ()
    } else {
    }
    return
  }
}

module attributes {stable_mosaic.version = 14 : i64} {
  func.func @_tc_prep_body(%arg0: i32, %arg1: memref<2x2000x128xf32, #tpu.memory_space<vmem>>, %arg2: memref<2000x128xf32, #tpu.memory_space<vmem>>, %arg3: memref<128x128xf32, #tpu.memory_space<vmem>>, %arg4: memref<2000x1xf32, #tpu.memory_space<vmem>>, %arg5: memref<2x2000x64xf32, #tpu.memory_space<vmem>>) attributes {dimension_semantics = [#tpu.dimension_semantics<arbitrary>], iteration_bounds = array<i64: 5>, scalar_prefetch = 0 : i64, scratch_operands = 0 : i64, tpu.core_type = #tpu.core_type<tc>, window_params = [{transform_indices = @transform_0, window_bounds = array<i64: 2, 2000, 128>}, {transform_indices = @transform_1, window_bounds = array<i64: 2000, 128>}, {pipeline_mode = #tpu.pipeline_mode<synchronous>, transform_indices = @transform_2, window_bounds = array<i64: 128, 128>}, {transform_indices = @transform_3, window_bounds = array<i64: 2000, 1>}, {transform_indices = @transform_4, window_bounds = array<i64: 2, 2000, 64>}]} {
    %get3A = arith.constant 0 : index
    %get3A_0 = arith.constant 0 : index
    %get3A_1 = arith.constant 0 : index
    %get3A_2 = vector.load %arg1[%get3A, %get3A_0, %get3A_1] : memref<2x2000x128xf32, #tpu.memory_space<vmem>>, vector<1x2000x1xf32>
    %get3A_3 = vector.shape_cast %get3A_2 : vector<1x2000x1xf32> to vector<2000x1xf32>
    %get3A_4 = arith.constant 1 : index
    %get3A_5 = arith.constant 0 : index
    %get3A_6 = arith.constant 0 : index
    %get3A_7 = vector.load %arg1[%get3A_4, %get3A_5, %get3A_6] : memref<2x2000x128xf32, #tpu.memory_space<vmem>>, vector<1x2000x1xf32>
    %get3A_8 = vector.shape_cast %get3A_7 : vector<1x2000x1xf32> to vector<2000x1xf32>
    %add3A = arith.addf %get3A_3, %get3A_8 : vector<2000x1xf32>
    %add3A_9 = arith.constant 1.000000e+00 : f32
    %add3A_10 = vector.broadcast %add3A_9 : f32 to vector<2000x1xf32>
    %add3A_11 = arith.addf %add3A, %add3A_10 : vector<2000x1xf32>
    %gt3A = arith.constant 0.000000e+00 : f32
    %gt3A_12 = vector.broadcast %gt3A : f32 to vector<2000x1xf32>
    %gt3A_13 = arith.cmpf ogt, %add3A_11, %gt3A_12 : vector<2000x1xf32>
    %sqrt3A = math.sqrt %add3A_11 : vector<2000x1xf32>
    %div3A = arith.constant 1.000000e+00 : f32
    %div3A_14 = vector.broadcast %div3A : f32 to vector<2000x1xf32>
    %div3A_15 = arith.divf %div3A_14, %sqrt3A : vector<2000x1xf32>
    %jit3A = arith.constant 0.000000e+00 : f32
    %broadcast_in_dim3A = vector.broadcast %jit3A : f32 to vector<2000x1xf32>
    %select_n3A = arith.select %gt3A_13, %div3A_15, %broadcast_in_dim3A : vector<2000x1xi1>, vector<2000x1xf32>
    %swap3A = arith.constant 0 : index
    %swap3A_16 = arith.constant 0 : index
    %swap3A_17 = vector.load %arg4[%swap3A, %swap3A_16] : memref<2000x1xf32, #tpu.memory_space<vmem>>, vector<2000x1xf32>
    tpu.vector_store %arg4[%swap3A, %swap3A_16], %select_n3A {strides = array<i32>} : memref<2000x1xf32, #tpu.memory_space<vmem>>, vector<2000x1xf32>,
    %get3A_18 = arith.constant 0 : index
    %get3A_19 = arith.constant 0 : index
    %get3A_20 = vector.load %arg2[%get3A_18, %get3A_19] : memref<2000x128xf32, #tpu.memory_space<vmem>>, vector<2000x128xf32>
    %get3A_21 = arith.constant 0 : index
    %get3A_22 = arith.constant 0 : index
    %get3A_23 = vector.load %arg3[%get3A_21, %get3A_22] : memref<128x128xf32, #tpu.memory_space<vmem>>, vector<128x128xf32>
    %dot_general3A = arith.constant dense<0.000000e+00> : vector<2000x128xf32>
    %dot_general3A_24 = tpu.matmul %get3A_20, %get3A_23, %dot_general3A {dimension_numbers = #tpu.dot_dimension_numbers<[1], [0], [0], [1], [0, 0, 1, 1], [], []>, transpose_lhs_hint = false} : vector<2000x128xf32>, vector<128x128xf32>, vector<2000x128xf32> -> vector<2000x128xf32>
    %mul3A = vector.broadcast %select_n3A : vector<2000x1xf32> to vector<2000x128xf32>
    %mul3A_25 = arith.mulf %dot_general3A_24, %mul3A : vector<2000x128xf32>
    %slice3A = vector.extract_strided_slice %mul3A_25 {offsets = [0, 0], sizes = [2000, 64], strides = [1, 1]} : vector<2000x128xf32> to vector<2000x64xf32>
    %swap3A_26 = arith.constant 0 : index
    %swap3A_27 = arith.constant 0 : index
    %swap3A_28 = arith.constant 0 : index
    %swap3A_29 = vector.load %arg5[%swap3A_26, %swap3A_27, %swap3A_28] : memref<2x2000x64xf32, #tpu.memory_space<vmem>>, vector<1x2000x64xf32>
    %swap3A_30 = vector.shape_cast %swap3A_29 : vector<1x2000x64xf32> to vector<2000x64xf32>
    %swap3A_31 = vector.shape_cast %slice3A : vector<2000x64xf32> to vector<1x2000x64xf32>
    tpu.vector_store %arg5[%swap3A_26, %swap3A_27, %swap3A_28], %swap3A_31 {strides = array<i32>} : memref<2x2000x64xf32, #tpu.memory_space<vmem>>, vector<1x2000x64xf32>,
    %slice3A_32 = vector.extract_strided_slice %mul3A_25 {offsets = [0, 64], sizes = [2000, 64], strides = [1, 1]} : vector<2000x128xf32> to vector<2000x64xf32>
    %swap3A_33 = arith.constant 1 : index
    %swap3A_34 = arith.constant 0 : index
    %swap3A_35 = arith.constant 0 : index
    %swap3A_36 = vector.load %arg5[%swap3A_33, %swap3A_34, %swap3A_35] : memref<2x2000x64xf32, #tpu.memory_space<vmem>>, vector<1x2000x64xf32>
    %swap3A_37 = vector.shape_cast %swap3A_36 : vector<1x2000x64xf32> to vector<2000x64xf32>
    %swap3A_38 = vector.shape_cast %slice3A_32 : vector<2000x64xf32> to vector<1x2000x64xf32>
    tpu.vector_store %arg5[%swap3A_33, %swap3A_34, %swap3A_35], %swap3A_38 {strides = array<i32>} : memref<2x2000x64xf32, #tpu.memory_space<vmem>>, vector<1x2000x64xf32>,
    return
  }
  func.func @transform_0(%arg0: i32) -> (i32, i32, i32) {
    %c0_i32 = arith.constant 0 : i32
    %c0_i32_0 = arith.constant 0 : i32
    %c0_i32_1 = arith.constant 0 : i32
    return %c0_i32, %arg0, %c0_i32_0 : i32, i32, i32
  }
  func.func @transform_1(%arg0: i32) -> (i32, i32) {
    %c0_i32 = arith.constant 0 : i32
    %c0_i32_0 = arith.constant 0 : i32
    return %arg0, %c0_i32 : i32, i32
  }
  func.func @transform_2(%arg0: i32) -> (i32, i32) {
    %c0_i32 = arith.constant 0 : i32
    %c0_i32_0 = arith.constant 0 : i32
    %c0_i32_1 = arith.constant 0 : i32
    return %c0_i32, %c0_i32_0 : i32, i32
  }
  func.func @transform_3(%arg0: i32) -> (i32, i32) {
    %c0_i32 = arith.constant 0 : i32
    %c0_i32_0 = arith.constant 0 : i32
    return %arg0, %c0_i32 : i32, i32
  }
  func.func @transform_4(%arg0: i32) -> (i32, i32, i32) {
    %c0_i32 = arith.constant 0 : i32
    %c0_i32_0 = arith.constant 0 : i32
    %c0_i32_1 = arith.constant 0 : i32
    return %c0_i32, %arg0, %c0_i32_0 : i32, i32, i32
  }
}

module attributes {stable_mosaic.version = 14 : i64} {
  func.func @_tc_layer_body(%arg0: i32, %arg1: memref<2x2000x128xf32, #tpu.memory_space<vmem>>, %arg2: memref<2x2000x64xf32, #tpu.memory_space<vmem>>, %arg3: memref<2000x1xf32, #tpu.memory_space<vmem>>, %arg4: memref<128x128xf32, #tpu.memory_space<vmem>>, %arg5: memref<1x128xf32, #tpu.memory_space<vmem>>, %arg6: memref<1x128xf32, #tpu.memory_space<vmem>>, %arg7: memref<1x128xf32, #tpu.memory_space<vmem>>, %arg8: memref<2000x128xf32, #tpu.memory_space<vmem>>, %arg9: memref<2x2000x64xf32, #tpu.memory_space<vmem>>, %arg10: memref<1x128xf32, #tpu.memory_space<vmem>>, %arg11: memref<1x128xf32, #tpu.memory_space<vmem>>) attributes {dimension_semantics = [#tpu.dimension_semantics<arbitrary>], iteration_bounds = array<i64: 10>, scalar_prefetch = 0 : i64, scratch_operands = 2 : i64, tpu.core_type = #tpu.core_type<tc>, window_params = [{transform_indices = @transform_0, window_bounds = array<i64: 2, 2000, 128>}, {transform_indices = @transform_1, window_bounds = array<i64: 2, 2000, 64>}, {transform_indices = @transform_2, window_bounds = array<i64: 2000, 1>}, {pipeline_mode = #tpu.pipeline_mode<synchronous>, transform_indices = @transform_3, window_bounds = array<i64: 128, 128>}, {pipeline_mode = #tpu.pipeline_mode<synchronous>, transform_indices = @transform_4, window_bounds = array<i64: 1, 128>}, {pipeline_mode = #tpu.pipeline_mode<synchronous>, transform_indices = @transform_5, window_bounds = array<i64: 1, 128>}, {pipeline_mode = #tpu.pipeline_mode<synchronous>, transform_indices = @transform_6, window_bounds = array<i64: 1, 128>}, {transform_indices = @transform_7, window_bounds = array<i64: 2000, 128>}, {transform_indices = @transform_8, window_bounds = array<i64: 2, 2000, 64>}]} {
    %eq3A = arith.constant 0 : i32
    %eq3A_0 = arith.cmpi eq, %arg0, %eq3A : i32
    %convert_element_type3A = arith.extui %eq3A_0 : i1 to i32
    %cond3A = arith.constant 0 : i32
    %cond3A_1 = arith.cmpi ne, %convert_element_type3A, %cond3A : i32
    scf.if %cond3A_1 {
      %broadcast_in_dim3A = arith.constant 0.000000e+00 : f32
      %broadcast_in_dim3A_39 = vector.broadcast %broadcast_in_dim3A : f32 to vector<1x128xf32>
      %swap3A = arith.constant 0 : index
      %swap3A_40 = arith.constant 0 : index
      %swap3A_41 = vector.load %arg10[%swap3A, %swap3A_40] : memref<1x128xf32, #tpu.memory_space<vmem>>, vector<1x128xf32>
      tpu.vector_store %arg10[%swap3A, %swap3A_40], %broadcast_in_dim3A_39 {strides = array<i32>} : memref<1x128xf32, #tpu.memory_space<vmem>>, vector<1x128xf32>,
      %broadcast_in_dim3A_42 = arith.constant 0.000000e+00 : f32
      %broadcast_in_dim3A_43 = vector.broadcast %broadcast_in_dim3A_42 : f32 to vector<1x128xf32>
      %swap3A_44 = arith.constant 0 : index
      %swap3A_45 = arith.constant 0 : index
      %swap3A_46 = vector.load %arg11[%swap3A_44, %swap3A_45] : memref<1x128xf32, #tpu.memory_space<vmem>>, vector<1x128xf32>
      tpu.vector_store %arg11[%swap3A_44, %swap3A_45], %broadcast_in_dim3A_43 {strides = array<i32>} : memref<1x128xf32, #tpu.memory_space<vmem>>, vector<1x128xf32>,
    } else {
    }
    %get3A = arith.constant 0 : index
    %get3A_2 = arith.constant 0 : index
    %get3A_3 = vector.load %arg3[%get3A, %get3A_2] : memref<2000x1xf32, #tpu.memory_space<vmem>>, vector<2000x1xf32>
    %get3A_4 = arith.constant 0 : index
    %get3A_5 = arith.constant 0 : index
    %get3A_6 = arith.constant 0 : index
    %get3A_7 = vector.load %arg1[%get3A_4, %get3A_5, %get3A_6] : memref<2x2000x128xf32, #tpu.memory_space<vmem>>, vector<1x2000x128xf32>
    %get3A_8 = vector.shape_cast %get3A_7 : vector<1x2000x128xf32> to vector<2000x128xf32>
    %get3A_9 = arith.constant 1 : index
    %get3A_10 = arith.constant 0 : index
    %get3A_11 = arith.constant 0 : index
    %get3A_12 = vector.load %arg1[%get3A_9, %get3A_10, %get3A_11] : memref<2x2000x128xf32, #tpu.memory_space<vmem>>, vector<1x2000x128xf32>
    %get3A_13 = vector.shape_cast %get3A_12 : vector<1x2000x128xf32> to vector<2000x128xf32>
    %add3A = arith.addf %get3A_8, %get3A_13 : vector<2000x128xf32>
    %get3A_14 = arith.constant 0 : index
    %get3A_15 = arith.constant 0 : index
    %get3A_16 = arith.constant 0 : index
    %get3A_17 = vector.load %arg2[%get3A_14, %get3A_15, %get3A_16] : memref<2x2000x64xf32, #tpu.memory_space<vmem>>, vector<1x2000x64xf32>
    %get3A_18 = vector.shape_cast %get3A_17 : vector<1x2000x64xf32> to vector<2000x64xf32>
    %get3A_19 = arith.constant 1 : index
    %get3A_20 = arith.constant 0 : index
    %get3A_21 = arith.constant 0 : index
    %get3A_22 = vector.load %arg2[%get3A_19, %get3A_20, %get3A_21] : memref<2x2000x64xf32, #tpu.memory_space<vmem>>, vector<1x2000x64xf32>
    %get3A_23 = vector.shape_cast %get3A_22 : vector<1x2000x64xf32> to vector<2000x64xf32>
    %concatenate3A = tpu.concatenate %get3A_18, %get3A_23 in 1 : vector<2000x64xf32>, vector<2000x64xf32> -> vector<2000x128xf32>
    %add3A_24 = arith.addf %add3A, %concatenate3A : vector<2000x128xf32>
    %mul3A = vector.broadcast %get3A_3 : vector<2000x1xf32> to vector<2000x128xf32>
    %mul3A_25 = arith.mulf %add3A_24, %mul3A : vector<2000x128xf32>
    %get3A_26 = arith.constant 0 : index
    %get3A_27 = arith.constant 0 : index
    %get3A_28 = vector.load %arg5[%get3A_26, %get3A_27] : memref<1x128xf32, #tpu.memory_space<vmem>>, vector<1x128xf32>
    %add3A_29 = vector.broadcast %get3A_28 : vector<1x128xf32> to vector<2000x128xf32>
    %add3A_30 = arith.addf %mul3A_25, %add3A_29 : vector<2000x128xf32>
    %lt3A = arith.constant 5 : i32
    %lt3A_31 = arith.cmpi slt, %arg0, %lt3A : i32
    %convert_element_type3A_32 = arith.extui %lt3A_31 : i1 to i32
    %cond3A_33 = arith.constant 0 : i32
    %cond3A_34 = arith.cmpi ne, %convert_element_type3A_32, %cond3A_33 : i32
    scf.if %cond3A_34 {
      %reduce_sum3A = arith.constant dense<0.000000e+00> : vector<128xf32>
      %reduce_sum3A_39 = vector.multi_reduction <add>, %add3A_30, %reduce_sum3A [0] : vector<2000x128xf32> to vector<128xf32>
      %broadcast_in_dim3A = vector.shape_cast %reduce_sum3A_39 : vector<128xf32> to vector<1x128xf32>
      %div3A = arith.constant 2.000000e+03 : f32
      %div3A_40 = vector.broadcast %div3A : f32 to vector<1x128xf32>
      %div3A_41 = arith.divf %broadcast_in_dim3A, %div3A_40 : vector<1x128xf32>
      %sub3A = vector.broadcast %div3A_41 : vector<1x128xf32> to vector<2000x128xf32>
      %sub3A_42 = arith.subf %add3A_30, %sub3A : vector<2000x128xf32>
      %mul3A_43 = arith.mulf %sub3A_42, %sub3A_42 : vector<2000x128xf32>
      %reduce_sum3A_44 = arith.constant dense<0.000000e+00> : vector<128xf32>
      %reduce_sum3A_45 = vector.multi_reduction <add>, %mul3A_43, %reduce_sum3A_44 [0] : vector<2000x128xf32> to vector<128xf32>
      %broadcast_in_dim3A_46 = vector.shape_cast %reduce_sum3A_45 : vector<128xf32> to vector<1x128xf32>
      %mul3A_47 = arith.constant 2000 : i32
      %mul3A_48 = arith.muli %arg0, %mul3A_47 : i32
      %convert_element_type3A_49 = arith.sitofp %mul3A_48 : i32 to f32
      %add3A_50 = arith.constant 2.000000e+03 : f32
      %add3A_51 = arith.addf %convert_element_type3A_49, %add3A_50 : f32
      %get3A_52 = arith.constant 0 : index
      %get3A_53 = arith.constant 0 : index
      %get3A_54 = vector.load %arg10[%get3A_52, %get3A_53] : memref<1x128xf32, #tpu.memory_space<vmem>>, vector<1x128xf32>
      %sub3A_55 = arith.subf %div3A_41, %get3A_54 : vector<1x128xf32>
      %get3A_56 = arith.constant 0 : index
      %get3A_57 = arith.constant 0 : index
      %get3A_58 = vector.load %arg10[%get3A_56, %get3A_57] : memref<1x128xf32, #tpu.memory_space<vmem>>, vector<1x128xf32>
      %div3A_59 = arith.constant 2.000000e+03 : f32
      %div3A_60 = arith.divf %div3A_59, %add3A_51 : f32
      %mul3A_61 = vector.broadcast %div3A_60 : f32 to vector<1x128xf32>
      %mul3A_62 = arith.mulf %sub3A_55, %mul3A_61 : vector<1x128xf32>
      %add3A_63 = arith.addf %get3A_58, %mul3A_62 : vector<1x128xf32>
      %swap3A = arith.constant 0 : index
      %swap3A_64 = arith.constant 0 : index
      %swap3A_65 = vector.load %arg10[%swap3A, %swap3A_64] : memref<1x128xf32, #tpu.memory_space<vmem>>, vector<1x128xf32>
      tpu.vector_store %arg10[%swap3A, %swap3A_64], %add3A_63 {strides = array<i32>} : memref<1x128xf32, #tpu.memory_space<vmem>>, vector<1x128xf32>,
      %get3A_66 = arith.constant 0 : index
      %get3A_67 = arith.constant 0 : index
      %get3A_68 = vector.load %arg11[%get3A_66, %get3A_67] : memref<1x128xf32, #tpu.memory_space<vmem>>, vector<1x128xf32>
      %mul3A_69 = arith.mulf %sub3A_55, %sub3A_55 : vector<1x128xf32>
      %mul3A_70 = arith.constant 2.000000e+03 : f32
      %mul3A_71 = arith.mulf %convert_element_type3A_49, %mul3A_70 : f32
      %div3A_72 = arith.divf %mul3A_71, %add3A_51 : f32
      %mul3A_73 = vector.broadcast %div3A_72 : f32 to vector<1x128xf32>
      %mul3A_74 = arith.mulf %mul3A_69, %mul3A_73 : vector<1x128xf32>
      %add3A_75 = arith.addf %broadcast_in_dim3A_46, %mul3A_74 : vector<1x128xf32>
      %add3A_76 = arith.addf %get3A_68, %add3A_75 : vector<1x128xf32>
      %swap3A_77 = arith.constant 0 : index
      %swap3A_78 = arith.constant 0 : index
      %swap3A_79 = vector.load %arg11[%swap3A_77, %swap3A_78] : memref<1x128xf32, #tpu.memory_space<vmem>>, vector<1x128xf32>
      tpu.vector_store %arg11[%swap3A_77, %swap3A_78], %add3A_76 {strides = array<i32>} : memref<1x128xf32, #tpu.memory_space<vmem>>, vector<1x128xf32>,
    } else {
    }
    %ge3A = arith.constant 5 : i32
    %ge3A_35 = arith.cmpi sge, %arg0, %ge3A : i32
    %convert_element_type3A_36 = arith.extui %ge3A_35 : i1 to i32
    %cond3A_37 = arith.constant 0 : i32
    %cond3A_38 = arith.cmpi ne, %convert_element_type3A_36, %cond3A_37 : i32
    scf.if %cond3A_38 {
      %get3A_39 = arith.constant 0 : index
      %get3A_40 = arith.constant 0 : index
      %get3A_41 = vector.load %arg10[%get3A_39, %get3A_40] : memref<1x128xf32, #tpu.memory_space<vmem>>, vector<1x128xf32>
      %get3A_42 = arith.constant 0 : index
      %get3A_43 = arith.constant 0 : index
      %get3A_44 = vector.load %arg11[%get3A_42, %get3A_43] : memref<1x128xf32, #tpu.memory_space<vmem>>, vector<1x128xf32>
      %div3A = arith.constant 1.000000e+04 : f32
      %div3A_45 = vector.broadcast %div3A : f32 to vector<1x128xf32>
      %div3A_46 = arith.divf %get3A_44, %div3A_45 : vector<1x128xf32>
      %add3A_47 = arith.constant 9.99999974E-6 : f32
      %add3A_48 = vector.broadcast %add3A_47 : f32 to vector<1x128xf32>
      %add3A_49 = arith.addf %div3A_46, %add3A_48 : vector<1x128xf32>
      %sqrt3A = math.sqrt %add3A_49 : vector<1x128xf32>
      %div3A_50 = arith.constant 1.000000e+00 : f32
      %div3A_51 = vector.broadcast %div3A_50 : f32 to vector<1x128xf32>
      %div3A_52 = arith.divf %div3A_51, %sqrt3A : vector<1x128xf32>
      %sub3A = vector.broadcast %get3A_41 : vector<1x128xf32> to vector<2000x128xf32>
      %sub3A_53 = arith.subf %add3A_30, %sub3A : vector<2000x128xf32>
      %mul3A_54 = vector.broadcast %div3A_52 : vector<1x128xf32> to vector<2000x128xf32>
      %mul3A_55 = arith.mulf %sub3A_53, %mul3A_54 : vector<2000x128xf32>
      %get3A_56 = arith.constant 0 : index
      %get3A_57 = arith.constant 0 : index
      %get3A_58 = vector.load %arg6[%get3A_56, %get3A_57] : memref<1x128xf32, #tpu.memory_space<vmem>>, vector<1x128xf32>
      %mul3A_59 = vector.broadcast %get3A_58 : vector<1x128xf32> to vector<2000x128xf32>
      %mul3A_60 = arith.mulf %mul3A_55, %mul3A_59 : vector<2000x128xf32>
      %get3A_61 = arith.constant 0 : index
      %get3A_62 = arith.constant 0 : index
      %get3A_63 = vector.load %arg7[%get3A_61, %get3A_62] : memref<1x128xf32, #tpu.memory_space<vmem>>, vector<1x128xf32>
      %add3A_64 = vector.broadcast %get3A_63 : vector<1x128xf32> to vector<2000x128xf32>
      %add3A_65 = arith.addf %mul3A_60, %add3A_64 : vector<2000x128xf32>
      %max3A = arith.constant 0.000000e+00 : f32
      %max3A_66 = vector.broadcast %max3A : f32 to vector<2000x128xf32>
      %max3A_67 = arith.maximumf %add3A_65, %max3A_66 : vector<2000x128xf32>
      %swap3A = arith.constant 0 : index
      %swap3A_68 = arith.constant 0 : index
      %swap3A_69 = vector.load %arg8[%swap3A, %swap3A_68] : memref<2000x128xf32, #tpu.memory_space<vmem>>, vector<2000x128xf32>
      tpu.vector_store %arg8[%swap3A, %swap3A_68], %max3A_67 {strides = array<i32>} : memref<2000x128xf32, #tpu.memory_space<vmem>>, vector<2000x128xf32>,
      %get3A_70 = arith.constant 0 : index
      %get3A_71 = arith.constant 0 : index
      %get3A_72 = vector.load %arg4[%get3A_70, %get3A_71] : memref<128x128xf32, #tpu.memory_space<vmem>>, vector<128x128xf32>
      %dot_general3A = arith.constant dense<0.000000e+00> : vector<2000x128xf32>
      %dot_general3A_73 = tpu.matmul %max3A_67, %get3A_72, %dot_general3A {dimension_numbers = #tpu.dot_dimension_numbers<[1], [0], [0], [1], [0, 0, 1, 1], [], []>, transpose_lhs_hint = false} : vector<2000x128xf32>, vector<128x128xf32>, vector<2000x128xf32> -> vector<2000x128xf32>
      %get3A_74 = arith.constant 0 : index
      %get3A_75 = arith.constant 0 : index
      %get3A_76 = vector.load %arg3[%get3A_74, %get3A_75] : memref<2000x1xf32, #tpu.memory_space<vmem>>, vector<2000x1xf32>
      %mul3A_77 = vector.broadcast %get3A_76 : vector<2000x1xf32> to vector<2000x128xf32>
      %mul3A_78 = arith.mulf %dot_general3A_73, %mul3A_77 : vector<2000x128xf32>
      %slice3A = vector.extract_strided_slice %mul3A_78 {offsets = [0, 0], sizes = [2000, 64], strides = [1, 1]} : vector<2000x128xf32> to vector<2000x64xf32>
      %swap3A_79 = arith.constant 0 : index
      %swap3A_80 = arith.constant 0 : index
      %swap3A_81 = arith.constant 0 : index
      %swap3A_82 = vector.load %arg9[%swap3A_79, %swap3A_80, %swap3A_81] : memref<2x2000x64xf32, #tpu.memory_space<vmem>>, vector<1x2000x64xf32>
      %swap3A_83 = vector.shape_cast %swap3A_82 : vector<1x2000x64xf32> to vector<2000x64xf32>
      %swap3A_84 = vector.shape_cast %slice3A : vector<2000x64xf32> to vector<1x2000x64xf32>
      tpu.vector_store %arg9[%swap3A_79, %swap3A_80, %swap3A_81], %swap3A_84 {strides = array<i32>} : memref<2x2000x64xf32, #tpu.memory_space<vmem>>, vector<1x2000x64xf32>,
      %slice3A_85 = vector.extract_strided_slice %mul3A_78 {offsets = [0, 64], sizes = [2000, 64], strides = [1, 1]} : vector<2000x128xf32> to vector<2000x64xf32>
      %swap3A_86 = arith.constant 1 : index
      %swap3A_87 = arith.constant 0 : index
      %swap3A_88 = arith.constant 0 : index
      %swap3A_89 = vector.load %arg9[%swap3A_86, %swap3A_87, %swap3A_88] : memref<2x2000x64xf32, #tpu.memory_space<vmem>>, vector<1x2000x64xf32>
      %swap3A_90 = vector.shape_cast %swap3A_89 : vector<1x2000x64xf32> to vector<2000x64xf32>
      %swap3A_91 = vector.shape_cast %slice3A_85 : vector<2000x64xf32> to vector<1x2000x64xf32>
      tpu.vector_store %arg9[%swap3A_86, %swap3A_87, %swap3A_88], %swap3A_91 {strides = array<i32>} : memref<2x2000x64xf32, #tpu.memory_space<vmem>>, vector<1x2000x64xf32>,
    } else {
    }
    return
  }
  func.func @transform_0(%arg0: i32) -> (i32, i32, i32) {
    %rem3A = arith.constant 5 : i32
    %rem3A_0 = arith.remsi %arg0, %rem3A : i32
    %c0_i32 = arith.constant 0 : i32
    %c0_i32_1 = arith.constant 0 : i32
    %c0_i32_2 = arith.constant 0 : i32
    return %c0_i32, %rem3A_0, %c0_i32_1 : i32, i32, i32
  }
  func.func @transform_1(%arg0: i32) -> (i32, i32, i32) {
    %rem3A = arith.constant 5 : i32
    %rem3A_0 = arith.remsi %arg0, %rem3A : i32
    %c0_i32 = arith.constant 0 : i32
    %c0_i32_1 = arith.constant 0 : i32
    %c0_i32_2 = arith.constant 0 : i32
    return %c0_i32, %rem3A_0, %c0_i32_1 : i32, i32, i32
  }
  func.func @transform_2(%arg0: i32) -> (i32, i32) {
    %rem3A = arith.constant 5 : i32
    %rem3A_0 = arith.remsi %arg0, %rem3A : i32
    %c0_i32 = arith.constant 0 : i32
    %c0_i32_1 = arith.constant 0 : i32
    return %rem3A_0, %c0_i32 : i32, i32
  }
  func.func @transform_3(%arg0: i32) -> (i32, i32) {
    %c0_i32 = arith.constant 0 : i32
    %c0_i32_0 = arith.constant 0 : i32
    %c0_i32_1 = arith.constant 0 : i32
    return %c0_i32, %c0_i32_0 : i32, i32
  }
  func.func @transform_4(%arg0: i32) -> (i32, i32) {
    %c0_i32 = arith.constant 0 : i32
    %c0_i32_0 = arith.constant 0 : i32
    %c0_i32_1 = arith.constant 0 : i32
    return %c0_i32, %c0_i32_0 : i32, i32
  }
  func.func @transform_5(%arg0: i32) -> (i32, i32) {
    %c0_i32 = arith.constant 0 : i32
    %c0_i32_0 = arith.constant 0 : i32
    %c0_i32_1 = arith.constant 0 : i32
    return %c0_i32, %c0_i32_0 : i32, i32
  }
  func.func @transform_6(%arg0: i32) -> (i32, i32) {
    %c0_i32 = arith.constant 0 : i32
    %c0_i32_0 = arith.constant 0 : i32
    %c0_i32_1 = arith.constant 0 : i32
    return %c0_i32, %c0_i32_0 : i32, i32
  }
  func.func @transform_7(%arg0: i32) -> (i32, i32) {
    %sub3A = arith.constant 5 : i32
    %sub3A_0 = arith.subi %arg0, %sub3A : i32
    %max3A = arith.constant 0 : i32
    %max3A_1 = arith.maxsi %sub3A_0, %max3A : i32
    %c0_i32 = arith.constant 0 : i32
    %c0_i32_2 = arith.constant 0 : i32
    return %max3A_1, %c0_i32 : i32, i32
  }
  func.func @transform_8(%arg0: i32) -> (i32, i32, i32) {
    %sub3A = arith.constant 5 : i32
    %sub3A_0 = arith.subi %arg0, %sub3A : i32
    %max3A = arith.constant 0 : i32
    %max3A_1 = arith.maxsi %sub3A_0, %max3A : i32
    %c0_i32 = arith.constant 0 : i32
    %c0_i32_2 = arith.constant 0 : i32
    %c0_i32_3 = arith.constant 0 : i32
    return %c0_i32, %max3A_1, %c0_i32_2 : i32, i32, i32
  }
}

module attributes {stable_mosaic.version = 14 : i64} {
  func.func @_tc_head_body(%arg0: memref<10000x128xf32, #tpu.memory_space<vmem>>, %arg1: memref<1x10000xi32, #tpu.memory_space<vmem>>, %arg2: memref<64x16xf32, #tpu.memory_space<vmem>>, %arg3: memref<144x128xf32, #tpu.memory_space<vmem>>, %arg4: memref<1x128xf32, #tpu.memory_space<vmem>>, %arg5: memref<128x64xf32, #tpu.memory_space<vmem>>, %arg6: memref<1x64xf32, #tpu.memory_space<vmem>>, %arg7: memref<1x64xf32, #tpu.memory_space<vmem>>, %arg8: memref<1x1xf32, #tpu.memory_space<vmem>>, %arg9: memref<64x1xf32, #tpu.memory_space<vmem>>) attributes {dimension_semantics = [], scalar_prefetch = 0 : i64, scratch_operands = 0 : i64, tpu.core_type = #tpu.core_type<tc>} {
    %iota3A = tpu.iota {dimensions = array<i32: 0>} : vector<64x10000xi32>
    %get3A = arith.constant 0 : index
    %get3A_0 = arith.constant 0 : index
    %get3A_1 = vector.load %arg1[%get3A, %get3A_0] : memref<1x10000xi32, #tpu.memory_space<vmem>>, vector<1x10000xi32>
    %eq3A = vector.broadcast %get3A_1 : vector<1x10000xi32> to vector<64x10000xi32>
    %eq3A_2 = arith.cmpi eq, %eq3A, %iota3A : vector<64x10000xi32>
    %convert_element_type3A = arith.extui %eq3A_2 : vector<64x10000xi1> to vector<64x10000xi32>
    %convert_element_type3A_3 = arith.sitofp %convert_element_type3A : vector<64x10000xi32> to vector<64x10000xf32>
    %get3A_4 = arith.constant 0 : index
    %get3A_5 = arith.constant 0 : index
    %get3A_6 = vector.load %arg0[%get3A_4, %get3A_5] : memref<10000x128xf32, #tpu.memory_space<vmem>>, vector<10000x128xf32>
    %dot_general3A = arith.constant dense<0.000000e+00> : vector<64x128xf32>
    %dot_general3A_7 = tpu.matmul %convert_element_type3A_3, %get3A_6, %dot_general3A {dimension_numbers = #tpu.dot_dimension_numbers<[1], [0], [0], [1], [0, 0, 1, 1], [], []>, precision = #tpu.contract_precision<fp32>, transpose_lhs_hint = false} : vector<64x10000xf32>, vector<10000x128xf32>, vector<64x128xf32> -> vector<64x128xf32>
    %reduce_sum3A = arith.constant dense<0.000000e+00> : vector<64xf32>
    %reduce_sum3A_8 = vector.multi_reduction <add>, %convert_element_type3A_3, %reduce_sum3A [1] : vector<64x10000xf32> to vector<64xf32>
    %broadcast_in_dim3A = vector.shape_cast %reduce_sum3A_8 : vector<64xf32> to vector<64x1xf32>
    %max3A = arith.constant 1.000000e+00 : f32
    %max3A_9 = vector.broadcast %max3A : f32 to vector<64x1xf32>
    %max3A_10 = arith.maximumf %broadcast_in_dim3A, %max3A_9 : vector<64x1xf32>
    %div3A = vector.broadcast %max3A_10 : vector<64x1xf32> to vector<64x128xf32>
    %div3A_11 = arith.divf %dot_general3A_7, %div3A : vector<64x128xf32>
    %get3A_12 = arith.constant 0 : index
    %get3A_13 = arith.constant 0 : index
    %get3A_14 = vector.load %arg3[%get3A_12, %get3A_13] : memref<144x128xf32, #tpu.memory_space<vmem>>, vector<128x128xf32>
    %dot_general3A_15 = arith.constant dense<0.000000e+00> : vector<64x128xf32>
    %dot_general3A_16 = tpu.matmul %div3A_11, %get3A_14, %dot_general3A_15 {dimension_numbers = #tpu.dot_dimension_numbers<[1], [0], [0], [1], [0, 0, 1, 1], [], []>, transpose_lhs_hint = false} : vector<64x128xf32>, vector<128x128xf32>, vector<64x128xf32> -> vector<64x128xf32>
    %get3A_17 = arith.constant 0 : index
    %get3A_18 = arith.constant 0 : index
    %get3A_19 = vector.load %arg2[%get3A_17, %get3A_18] : memref<64x16xf32, #tpu.memory_space<vmem>>, vector<64x16xf32>
    %get3A_20 = arith.constant 128 : index
    %get3A_21 = arith.constant 0 : index
    %get3A_22 = vector.load %arg3[%get3A_20, %get3A_21] : memref<144x128xf32, #tpu.memory_space<vmem>>, vector<16x128xf32>
    %dot_general3A_23 = arith.constant dense<0.000000e+00> : vector<64x128xf32>
    %dot_general3A_24 = tpu.matmul %get3A_19, %get3A_22, %dot_general3A_23 {dimension_numbers = #tpu.dot_dimension_numbers<[1], [0], [0], [1], [0, 0, 1, 1], [], []>, transpose_lhs_hint = false} : vector<64x16xf32>, vector<16x128xf32>, vector<64x128xf32> -> vector<64x128xf32>
    %add3A = arith.addf %dot_general3A_16, %dot_general3A_24 : vector<64x128xf32>
    %get3A_25 = arith.constant 0 : index
    %get3A_26 = arith.constant 0 : index
    %get3A_27 = vector.load %arg4[%get3A_25, %get3A_26] : memref<1x128xf32, #tpu.memory_space<vmem>>, vector<1x128xf32>
    %add3A_28 = vector.broadcast %get3A_27 : vector<1x128xf32> to vector<64x128xf32>
    %add3A_29 = arith.addf %add3A, %add3A_28 : vector<64x128xf32>
    %max3A_30 = arith.constant 0.000000e+00 : f32
    %max3A_31 = vector.broadcast %max3A_30 : f32 to vector<64x128xf32>
    %max3A_32 = arith.maximumf %add3A_29, %max3A_31 : vector<64x128xf32>
    %get3A_33 = arith.constant 0 : index
    %get3A_34 = arith.constant 0 : index
    %get3A_35 = vector.load %arg5[%get3A_33, %get3A_34] : memref<128x64xf32, #tpu.memory_space<vmem>>, vector<128x64xf32>
    %dot_general3A_36 = arith.constant dense<0.000000e+00> : vector<64x64xf32>
    %dot_general3A_37 = tpu.matmul %max3A_32, %get3A_35, %dot_general3A_36 {dimension_numbers = #tpu.dot_dimension_numbers<[1], [0], [0], [1], [0, 0, 1, 1], [], []>, transpose_lhs_hint = false} : vector<64x128xf32>, vector<128x64xf32>, vector<64x64xf32> -> vector<64x64xf32>
    %get3A_38 = arith.constant 0 : index
    %get3A_39 = arith.constant 0 : index
    %get3A_40 = vector.load %arg6[%get3A_38, %get3A_39] : memref<1x64xf32, #tpu.memory_space<vmem>>, vector<1x64xf32>
    %add3A_41 = vector.broadcast %get3A_40 : vector<1x64xf32> to vector<64x64xf32>
    %add3A_42 = arith.addf %dot_general3A_37, %add3A_41 : vector<64x64xf32>
    %max3A_43 = arith.constant 0.000000e+00 : f32
    %max3A_44 = vector.broadcast %max3A_43 : f32 to vector<64x64xf32>
    %max3A_45 = arith.maximumf %add3A_42, %max3A_44 : vector<64x64xf32>
    %get3A_46 = arith.constant 0 : index
    %get3A_47 = arith.constant 0 : index
    %get3A_48 = vector.load %arg7[%get3A_46, %get3A_47] : memref<1x64xf32, #tpu.memory_space<vmem>>, vector<1x64xf32>
    %mul3A = vector.broadcast %get3A_48 : vector<1x64xf32> to vector<64x64xf32>
    %mul3A_49 = arith.mulf %max3A_45, %mul3A : vector<64x64xf32>
    %reduce_sum3A_50 = arith.constant dense<0.000000e+00> : vector<64xf32>
    %reduce_sum3A_51 = vector.multi_reduction <add>, %mul3A_49, %reduce_sum3A_50 [1] : vector<64x64xf32> to vector<64xf32>
    %broadcast_in_dim3A_52 = vector.shape_cast %reduce_sum3A_51 : vector<64xf32> to vector<64x1xf32>
    %get3A_53 = arith.constant 0 : index
    %get3A_54 = arith.constant 0 : index
    %get3A_55 = vector.load %arg8[%get3A_53, %get3A_54] : memref<1x1xf32, #tpu.memory_space<vmem>>, vector<1x1xf32>
    %add3A_56 = vector.broadcast %get3A_55 : vector<1x1xf32> to vector<64x1xf32>
    %add3A_57 = arith.addf %broadcast_in_dim3A_52, %add3A_56 : vector<64x1xf32>
    %swap3A = arith.constant 0 : index
    %swap3A_58 = arith.constant 0 : index
    %swap3A_59 = vector.load %arg9[%swap3A, %swap3A_58] : memref<64x1xf32, #tpu.memory_space<vmem>>, vector<64x1xf32>
    tpu.vector_store %arg9[%swap3A, %swap3A_58], %add3A_57 {strides = array<i32>} : memref<64x1xf32, #tpu.memory_space<vmem>>, vector<64x1xf32>,
    return
  }
}

</mosaic_0001>

<sc_bundles>
// kernel: closed_call.12.cloned.1.call-start
scs
__scs_entry_jumppad:
0x0: {  	(pc) =	sbr.rel $0x88, $3  }
0x1: {  	(tag) =	ssettag $0x0;
	lr =	simm.s32 $0x1  }
0x2: {  	[smem:$0x3F8B] =	sst lr;
	_ =	strace $0xD0000000  }
0x3: {  	_ = 	snop  }
0x4: {  	_ = 	snop  }
0x5: {  	_ = 	snop  }
0x6: {  	_ = 	snop  }
0x7: {  	_ = 	snop  }
__scs_overlays_trampoline_lowered:
0x8: {  	[smem:$0x3F9A] =	sst s0  }
0x9: {  	[smem:$0x3F9B] =	sst s1  }
0xa: {  	[smem:$0x3F9C] =	sst s2  }
0xb: {  	[smem:$0x3F9D] =	sst s3  }
0xc: {  	[smem:$0x3F9E] =	sst s4  }
0xd: {  	[smem:$0x3F9F] =	sst s5  }
0xe: {  	[smem:$0x3FA0] =	sst s6  }
0xf: {  	[smem:$0x3FA1] =	sst s7  }
0x10: {  	[smem:$0x3FA2] =	sst s8  }
0x11: {  	[smem:$0x3FA3] =	sst s9;
	s0 =	simm.s32 @!p0 $0x0  }
0x12: {  	s1 =	sld [smem:$0x3F89];
	s0 =	simm.s32 @p0 $0x1  }
0x13: {  	[smem:$0x3FA4] =	sst s0;
	s0 =	simm.s32 @!p1 $0x0  }
0x14: {  	s2 =	sld [smem:$0x3F88];
	s0 =	simm.s32 @p1 $0x1  }
0x15: {  	[smem:$0x3FA5] =	sst s0;
	s0 =	simm.s32 @!p2 $0x0  }
0x16: {  	s3 =	sld [smem:$0x3FDB];
	s0 =	simm.s32 @p2 $0x1  }
0x17: {  	s4 =	simm.s32 $0x1BF5;
	[smem:$0x3FA7] =	sst s0  }
0x18: {  	s0 =	sld [smem:$0x3F8A];
	_ =	swait.ge [sflag:s4], $0x0  }
0x19: {  	s7 =	sld [smem:$0x3F8B]  }
0x1a: {  	s8 =	sadd.s32 $0xFFFFE003, lr  }
0x1b: {  	s9 =	sadd.s32 $0xFFFFFEF7, lr;
	s5 =	simm.s32 $0xFFFFFFFF;
	p2 =	slt.u32 s8, $0xFFFFF086  }
0x1c: {  	p1 =	slt.u32 s9, $0xF7A;
	s5 =	simm.s32 @!p2 $0x0  }
0x1d: {  	s5 =	simm.s32 @p1 $0x1;
	p0 =	seq.s32 s7, s2  }
0x1e: {  	s7 =	smul.u32 @!p0 $0xF7A, s2;
	p2 =	seq.s32 @!p0 s5, $0x0  }
0x1f: {  	s9 =	smul.u32 $0xF7A, s1;
	s8 =	simm.s32 @!p0 $0x1BF5;
	p2 =	por !p2, p0  }
0x20: {  	[sflag:s8] =	ssyncset.s32 @!p0 $0xFFFFF086;
	s6 =	sadd.s32 @!p0 s3, s7;
	s7 =	simm.s32 @!p0 $0x108  }
0x21: {  	s3 =	sadd.s32 s3, s9;
	s6 =	sadd.s32 @!p0 $0x88, s6;
	s7 =	simm.s32 @p2 $0x1082  }
0x22: {  	[simem:s7], [sflag:s8] =	dma.local @!p0 [hbm:s6], $0xF7A  }
0x23: {  	s9 =	sor.u32 $0xD0000000, s2;
	s6 =	simm.s32 $0x108;
	_ =	swait.ge @!p0 [sflag:s8], $0x0  }
0x24: {  	s3 =	sadd.s32 $0x88, s3;
	s6 =	simm.s32 @!p1 $0x1082;
	[sflag:s4] =	ssyncset.s32 $0xFFFFF086  }
0x25: {  	[simem:s6], [sflag:s4] =	dma.local [hbm:s3], $0xF7A  }
0x26: {  	[smem:$0x3F8B] =	sst s1;
	(tag) =	ssettag s2;
	_ =	strace s9  }
0x27: {  	s1 =	sld [smem:$0x3F9B]  }
0x28: {  	s2 =	sld [smem:$0x3F9C]  }
0x29: {  	s4 =	sld [smem:$0x3F9E]  }
0x2a: {  	p0 =	seq.s32 s5, $0x0;
	s5 =	sld [smem:$0x3F9F]  }
0x2b: {  	s6 =	sld [smem:$0x3FA0]  }
0x2c: {  	s7 =	sld [smem:$0x3FA1]  }
0x2d: {  	s3 =	simm.s32 $0x108;
	s8 =	sld [smem:$0x3FA2]  }
0x2e: {  	s3 =	simm.s32 @!p0 $0x1082;
	s9 =	sld [smem:$0x3FA3]  }
0x2f: {  	lr =	sadd.s32 s0, s3;
	s0 =	sld [smem:$0x3F9A]  }
0x30: {  	s3 =	sld [smem:$0x3F9D]  }
0x31: {  	[smem:$0x3FA6] =	sst s10  }
0x32: {  	s10 =	sld [smem:$0x3FA4];
	_ =	sdelay $0x3  }
0x33: {  	p0 =	seq.s32 s10, $0x1;
	s10 =	sld [smem:$0x3FA6];
	_ =	sdelay $0x3  }
0x34: {  	[smem:$0x3FA6] =	sst s10  }
0x35: {  	s10 =	sld [smem:$0x3FA5];
	_ =	sdelay $0x3  }
0x36: {  	p1 =	seq.s32 s10, $0x1;
	s10 =	sld [smem:$0x3FA6];
	_ =	sdelay $0x3  }
0x37: {  	[smem:$0x3FA6] =	sst s10  }
0x38: {  	s10 =	sld [smem:$0x3FA7]  }
0x39: {  	_ = 	snop;
	(pc) =	sbr.ind lr, $3  }
0x3a: {  	_ = 	snop  }
0x3b: {  	_ = 	snop  }
0x3c: {  	p2 =	seq.s32 s10, $0x1;
	s10 =	sld [smem:$0x3FA6]  }
0x3d: {  	_ =	shalt  }
0x3e: {  	_ =	shalt  }
0x3f: {  	_ =	shalt  }
0x40: {  	_ =	shalt  }
0x41: {  	_ =	shalt  }
0x42: {  	_ =	shalt  }
0x43: {  	_ =	shalt  }
0x44: {  	_ =	shalt  }
0x45: {  	_ =	shalt  }
0x46: {  	_ =	shalt  }
0x47: {  	_ =	shalt  }
0x48: {  	_ =	shalt  }
0x49: {  	_ =	shalt  }
0x4a: {  	_ =	shalt  }
0x4b: {  	_ =	shalt  }
0x4c: {  	_ =	shalt  }
0x4d: {  	_ =	shalt  }
0x4e: {  	_ =	shalt  }
0x4f: {  	_ =	shalt  }
0x50: {  	_ =	shalt  }
0x51: {  	_ =	shalt  }
0x52: {  	_ =	shalt  }
0x53: {  	_ =	shalt  }
0x54: {  	_ =	shalt  }
0x55: {  	_ =	shalt  }
0x56: {  	_ =	shalt  }
0x57: {  	_ =	shalt  }
0x58: {  	_ =	shalt  }
0x59: {  	_ =	shalt  }
0x5a: {  	_ =	shalt  }
0x5b: {  	_ =	shalt  }
0x5c: {  	_ =	shalt  }
0x5d: {  	_ =	shalt  }
0x5e: {  	_ =	shalt  }
0x5f: {  	_ =	shalt  }
0x60: {  	_ =	shalt  }
0x61: {  	_ =	shalt  }
0x62: {  	_ =	shalt  }
0x63: {  	_ =	shalt  }
0x64: {  	_ =	shalt  }
0x65: {  	_ =	shalt  }
0x66: {  	_ =	shalt  }
0x67: {  	_ =	shalt  }
0x68: {  	_ =	shalt  }
0x69: {  	_ =	shalt  }
0x6a: {  	_ =	shalt  }
0x6b: {  	_ =	shalt  }
0x6c: {  	_ =	shalt  }
0x6d: {  	_ =	shalt  }
0x6e: {  	_ =	shalt  }
0x6f: {  	_ =	shalt  }
0x70: {  	_ =	shalt  }
0x71: {  	_ =	shalt  }
0x72: {  	_ =	shalt  }
0x73: {  	_ =	shalt  }
0x74: {  	_ =	shalt  }
0x75: {  	_ =	shalt  }
0x76: {  	_ =	shalt  }
0x77: {  	_ =	shalt  }
0x78: {  	_ =	shalt  }
0x79: {  	_ =	shalt  }
0x7a: {  	_ =	shalt  }
0x7b: {  	_ =	shalt  }
0x7c: {  	_ =	shalt  }
0x7d: {  	_ =	shalt  }
0x7e: {  	_ =	shalt  }
0x7f: {  	_ =	shalt  }
0x80: {  	_ =	shalt  }
0x81: {  	_ =	shalt  }
0x82: {  	_ =	shalt  }
0x83: {  	_ =	shalt  }
0x84: {  	_ =	shalt  }
0x85: {  	_ =	shalt  }
0x86: {  	_ =	shalt  }
0x87: {  	_ =	shalt  }
.Lfunc_end0:
.L_simem_size_0:
called_computation_lowered:
.L_overlay_start_0:
0x88: {  	s2 =	sld [smem:$0x3FD9]  }
0x89: {  	s3 =	sld [smem:$0x3FFE];
	_ =	sdelay $0x1  }
0x8a: {  	s1 =	srdreg.scid  }
0x8b: {  	s0 =	sand.u32 $0x1, s1  }
0x8c: {  	s16 =	sshll.u32 s0, $0xA;
	s2 =	sadd.s32 s3, s2  }
0x8d: {  	s2 =	sadd.s32 s2, s16  }
0x8e: {  	[smem:$0x3FB2] =	sst s2  }
0x8f: {  	_ = 	snop  }
0x90: {  	(tm) =	ssettm $0x1  }
0x91: {  	s17 =	sld [smem:$0x3FFB];
	_ =	sdelay $0x3  }
0x92: {  	_ =	strace s17  }
0x93: {  	s2 =	sld [smem:$0x3FFC];
	_ =	sdelay $0x3  }
0x94: {  	_ =	strace s2  }
0x95: {  	s2 =	sld [smem:$0x3FFD];
	_ =	sdelay $0x3  }
0x96: {  	_ =	strace s2  }
0x97: {  	_ =	strace $0x8FFFFFFF  }
0x98: {  	s18 =	sld [smem:$0x3FDB];
	_ =	sdelay $0x1  }
0x99: {  	s19 =	simm.s32 $_scs_section_size  }
0x9a: {  	s4 =	simm.s32 $_size__tile_overlayer_lowered;
	s5 =	simm.s32 $_tile_overlayer_lowered  }
0x9b: {  	s22 =	simm.s32 $0x1BFF;
	s21 =	sshll.u32 s5, $0x1;
	s2 =	sadd.s32 s19, s18  }
0x9c: {  	s6 =	simm.s32 $0x0;
	s20 =	sshll.u32 s4, $0x1;
	s4 =	sadd.s32 s21, s2  }
0x9d: {  	[timem:s6], [sflag:s22] =	dma.local [hbm:s4], s20  }
0x9e: {  	_ =	swait.ge [sflag:s22], s20  }
0x9f: {  	s3 =	ssub.s32 $0x0, s20;
	[sflag:s22] =	ssyncset.done $0x0  }
0xa0: {  	[sflag:s22] =	ssyncadd.s32 s3;
	_ =	sdelay $0x1  }
0xa1: {  	s23 =	simm.s32 $0x1B8B  }
0xa2: {  	_ =	swait.ge [sflag:s23], $0x1  }
0xa3: {  	[sflag:s23] =	ssyncset.done $0x0  }
0xa4: {  	s25 =	simm.s32 $0x1B8E;
	s24 =	sld [smem:$0x3FFE];
	[sflag:s23] =	ssyncadd.s32 $0xFFFFFFFF  }
0xa5: {  	s26 =	simm.s32 $execute0_lowered;
	[smem:$0x3FD2] =	sst s25  }
0xa6: {  	s4 =	sshll.u32 s26, $0x1;
	_ =	strace $0x80000046;
	[dreg:$0x1] =	wrdreg $0xFFFFFFFF  }
0xa7: {  	s28 =	simm.s32 $_size_execute0_lowered;
	s2 =	sadd.s32 s2, s4;
	[dreg:$0x0] =	wrdreg $0x0  }
0xa8: {  	s4 =	sshll.u32 s28, $0x1;
	[dreg:$0x2] =	wrdreg s2  }
0xa9: {  	[dreg:$0x3] =	wrdreg s4  }
0xaa: {  	[dreg:$0x4] =	wrdreg $0xC0  }
0xab: {  	_ =	task [dreg:s6], $0x5FFFF  }
0xac: {  	[dreg:$0x1] =	wrdreg $0xFFFFFFFF  }
0xad: {  	[dreg:$0x0] =	wrdreg $0x60  }
0xae: {  	[dreg:$0x2] =	wrdreg s24  }
0xaf: {  	[dreg:$0x3] =	wrdreg $0xF0100  }
0xb0: {  	[dreg:$0x4] =	wrdreg $0x9  }
0xb1: {  	_ =	task.clear_ibuf [dreg:s6], $0x5FFFF;
	_ =	strace $0x90000046  }
0xb2: {  	s29 =	simm.s32 $0x9;
	_ =	strace $0x80000048  }
0xb3: {  	_ =	swait.ge [sflag:s29], $0x1  }
0xb4: {  	[sflag:s29] =	ssyncadd.s32 $0xFFFFFFFF  }
0xb5: {  	_ =	strace $0x90000048  }
0xb6: {  	_ =	sfence  }
0xb7: {  	s30 =	sld [smem:$0x0];
	_ =	sdelay $0x2  }
0xb8: {  	s31 =	sshll.u32 s1, $0xD;
	s1 =	sshrl.u32 s1, $0x2  }
0xb9: {  	s3 =	sand.u32 $0x4000, s31;
	s1 =	sadd.s32 s1, s30  }
0xba: {  	s0 =	sor.u32 s3, s0;
	s1 =	sshll.u32 s1, $0x11  }
0xbb: {  	s0 =	sor.u32 s1, s0  }
0xbc: {  	s0 =	sadd.s32 $0x8F2B, s0  }
0xbd: {  	[sflag:s0] =	ssyncadd.remote.s32 $0x1  }
0xbe: {  	_ =	sfence.sel $0xFFFF  }
0xbf: {  	[dreg:$0x0] =	wrdreg $0xFFFFFFFF;
	(pc) =	sbr.abs _section_cstart, $3  }
0xc0: {  	[dreg:$0x1] =	wrdreg $0xFFFFFFFF  }
0xc1: {  	_ =	task.clear_ibuf [dreg:s6], $0x2FFFF;
	_ =	strace $0x9FFFFFFF  }
0xc2: {  	(tm) =	ssettm $0x7FFFFFFF  }
0xc3: {  	_ =	shalt  }
tec
execute0_lowered:
.L_overlay_start_1:
0x0: {  	(tag) =	ssettag $0x1  }
0x1: {  	s0 =	srdreg.scid  }
0x2: {  	s10 =	stileid.u32;
	s4 =	rddreg [dreg:$0x0]  }
0x3: {  	s2 =	rddreg [dreg:$0x1];
	s13 =	simm.s32 $0x0;
	s14 =	simm.s32 $0x9  }
0x4: {  	s15 =	simm.s32 $0x10;
	s17 =	simm.s32 $0x5010;
	s20 =	simm.s32 $0x80  }
0x5: {  	s21 =	simm.s32 $0x1;
	s28 =	simm.s32 $0x90;
	s29 =	simm.s32 $0x9010  }
0x6: {  	s30 =	simm.s32 $0x110;
	s0 =	sand.u32 $0x1, s0;
	s1 =	sshll.u32 s10, $0x1  }
0x7: {  	[smem:$0x7FF] =	sst s13;
	s8 =	smul.u32 $0x13C00, s10;
	s12 =	sadd.s32 $0x69600, s4  }
0x8: {  	s5 =	sadd.s32 $0x42400, s4;
	s23 =	sadd.s32 $0x69800, s4;
	s22 =	smul.u32 $0x27800, s10  }
0x9: {  	s9 =	sadd.s32 $0x6AC00, s4;
	s11 =	sadd.s32 $0x55C80, s4;
	s31 =	sshll.u32 s10, $0x6  }
0xa: {  	s10 =	simm.s32 $0x2810;
	s1 =	sor.u32 s0, s1;
	s7 =	smul.u32 $0x13C000, s0  }
0xb: {  	_ =	strace $0x80000047;
	s0 =	ssub.s32 $0x2, s0;
	[dreg:$0x4] =	wrdreg s9  }
0xc: {  	s18 =	sor.u32 $0x1C09, s31;
	s1 =	smul.u32 $0x500, s1;
	s24 =	sshrl.u32 s0, $0x1  }
0xd: {  	[dreg:$0x3] =	wrdreg s12;
	s7 =	sadd.s32 s8, s7;
	s0 =	ssub.s32 s0, s24  }
0xe: {  	s8 =	sshrl.u32 s22, $0x2;
	s22 =	simm.s32 $0x8;
	s1 =	sadd.s32 s1, s4  }
0xf: {  	s7 =	sshrl.u32 s7, $0x3;
	s25 =	sadd.s32 s8, s2;
	s6 =	smax.u32 s0, $0x1  }
.Ltmp0:
0x10: {  	s0 =	simm.s32 $0x7;
	s7 =	sadd.s32 s7, s4;
	(pc) =	sbr.rel .LBB2_1-.Ltmp0, $4  }
0x11: {  	s9 =	sadd.s32 $0x2DC00, s1;
	s3 =	sadd.s32 $0x37C00, s1;
	s19 =	sshrl.u32 s25, $0x3  }
0x12: {  	s25 =	simm.s32 $0x7010;
	s1 =	simm.s32 $0x6;
	[dreg:$0x7] =	wrdreg s6  }
0x13: {  	s16 =	sadd.s32 $0x6B000, s7;
	s26 =	sadd.s32 $0x6B008, s7;
	[dreg:$0x5] =	wrdreg s9  }
0x14: {  	s7 =	simm.s32 $0x0;
	[dreg:$0x6] =	wrdreg s26;
	s26 =	simm.s32 $0x5  }
.LBB2_9:
0x15: {  	[sflag:s9] =	ssyncadd.s32 @!p4 $0xFFFFE000;
	s9 =	simm.s32 @!p4 $0x7010  }
0x16: {  	[spmem:s2] =	stream.indirect.scatter.add.f32 @!p4 [tilespmem:s9], [sflag:$0x5], $0x40, s29, s13, $0xb8;
	[tilespmem:$0x18E10] =	vst v63  }
0x17: {  	_ =	swait.ge @!p6 [sflag:s8], $0x2000  }
0x18: {  	[sflag:s8] =	ssyncset.done @!p6 $0x0  }
0x19: {  	p4 =	sgt.u32 @!p3 s26, $0x4C;
	[sflag:s8] =	ssyncadd.s32 @!p6 $0xFFFFE000;
	s8 =	simm.s32 @!p3 $0x2  }
0x1a: {  	[tilespmem:s16], [sflag:$0x4] =	stream.indirect.gather @!p6 [hbm4b:s11+s4], $0x40, s28, s4, $0xb8;
	[tilespmem:$0x18E10] =	vst v63  }
0x1b: {  	p1 =	seq.s32 @p5 s30, $0x2;
	p2 =	por @!p0 p4, p2;
	_ =	swait.ge @!p3 [sflag:s8], $0x2000  }
0x1c: {  	s9 =	simm.s32 @!p3 $0x80;
	p2 =	por p2, p0;
	[sflag:s8] =	ssyncset.done @!p3 $0x0  }
0x1d: {  	s4 =	simm.s32 @!p3 $0x9010;
	[sflag:s8] =	ssyncadd.s32 @!p3 $0xFFFFE000;
	s8 =	simm.s32 @!p2 $0x5  }
0x1e: {  	[spmem:s2] =	stream.indirect.scatter.add.f32 @!p3 [tilespmem:s4], [sflag:$0x6], $0x40, s29, s9, $0xb8;
	[tilespmem:$0x18E10] =	vst v63  }
0x1f: {  	p0 =	por p5, p5;
	s4 =	simm.s32 @!p2 $0x7010;
	_ =	swait.ge @!p2 [sflag:s8], $0x2000  }
0x20: {  	p3 =	por !p1, !p0;
	s9 =	simm.s32 @!p2 $0x80;
	[sflag:s8] =	ssyncset.done @!p2 $0x0  }
0x21: {  	p4 =	sgt.u32 @!p3 s24, $0x4C;
	s10 =	simm.s32 @!p3 $0x3;
	[sflag:s8] =	ssyncadd.s32 @!p2 $0xFFFFE000  }
0x22: {  	[tilespmem:s4], [sflag:$0x1] =	stream.indirect.gather @!p2 [hbm4b:s11+s9], $0x40, s28, s9, $0xb8;
	[tilespmem:$0x18E10] =	vst v63  }
0x23: {  	p2 =	por @p0 p4, !p1;
	_ =	swait.ge @!p3 [sflag:s10], $0x2000  }
0x24: {  	s8 =	simm.s32 @!p3 $0x80;
	p2 =	por p2, !p0;
	[sflag:s10] =	ssyncset.done @!p3 $0x0  }
0x25: {  	s4 =	simm.s32 @!p3 $0xB010;
	s9 =	simm.s32 @!p2 $0x6;
	[sflag:s10] =	ssyncadd.s32 @!p3 $0xFFFFE000  }
0x26: {  	[spmem:s2] =	stream.indirect.scatter.add.f32 @!p3 [tilespmem:s4], [sflag:$0x7], $0x40, s21, s8, $0xb8;
	[tilespmem:$0x18E10] =	vst v63  }
0x27: {  	_ =	swait.ge @!p2 [sflag:s9], $0x2000  }
0x28: {  	s4 =	simm.s32 @!p2 $0x9010;
	[sflag:s9] =	ssyncset.done @!p2 $0x0  }
0x29: {  	p3 =	por p1, !p0;
	s8 =	simm.s32 @!p2 $0x80;
	[sflag:s9] =	ssyncadd.s32 @!p2 $0xFFFFE000  }
0x2a: {  	[tilespmem:s4], [sflag:$0x2] =	stream.indirect.gather @!p2 [hbm4b:s11+s8], $0x40, s25, s8, $0xb8;
	[tilespmem:$0x18E10] =	vst v63  }
0x2b: {  	s9 =	simm.s32 @!p3 $0x4;
	p2 =	sgt.u32 @!p3 s24, $0x4C  }
0x2c: {  	_ =	swait.ge @!p3 [sflag:s9], $0x2000;
	p1 =	por @p0 p2, p1  }
0x2d: {  	s4 =	simm.s32 @!p3 $0xD010;
	[sflag:s9] =	ssyncset.done @!p3 $0x0;
	p2 =	por p1, !p0  }
0x2e: {  	s8 =	simm.s32 @!p3 $0x80;
	[sflag:s9] =	ssyncadd.s32 @!p3 $0xFFFFE000;
	s9 =	simm.s32 @!p2 $0x7  }
0x2f: {  	[spmem:s2] =	stream.indirect.scatter.add.f32 @!p3 [tilespmem:s4], [sflag:$0x8], $0x40, s21, s8, $0xb8;
	[tilespmem:$0x18E10] =	vst v63  }
0x30: {  	p1 =	seq.s32 @!p0 s30, $0x0;
	s4 =	simm.s32 @!p2 $0x80;
	_ =	swait.ge @!p2 [sflag:s9], $0x2000  }
0x31: {  	s8 =	simm.s32 @!p2 $0xB010;
	p3 =	por !p1, p0;
	[sflag:s9] =	ssyncset.done @!p2 $0x0  }
0x32: {  	p4 =	sgt.u32 @!p3 s24, $0x4C;
	s10 =	simm.s32 @!p3 $0x1;
	[sflag:s9] =	ssyncadd.s32 @!p2 $0xFFFFE000  }
0x33: {  	[tilespmem:s8], [sflag:$0x3] =	stream.indirect.gather @!p2 [hbm4b:s11+s4], $0x40, s25, s4, $0xb8;
	[tilespmem:$0x18E10] =	vst v63  }
0x34: {  	p2 =	por @!p0 p4, !p1;
	_ =	swait.ge @!p3 [sflag:s10], $0x2000  }
0x35: {  	s9 =	simm.s32 @!p3 $0x7010;
	p4 =	por p2, p0;
	[sflag:s10] =	ssyncset.done @!p3 $0x0  }
0x36: {  	s4 =	simm.s32 @!p3 $0x80;
	s8 =	simm.s32 @!p4 $0x8;
	[sflag:s10] =	ssyncadd.s32 @!p3 $0xFFFFE000  }
0x37: {  	[spmem:s2] =	stream.indirect.scatter.add.f32 @!p3 [tilespmem:s9], [sflag:$0x5], $0x40, s21, s4, $0xb8;
	[tilespmem:$0x18E10] =	vst v63  }
0x38: {  	p2 =	por p1, p0;
	_ =	swait.ge @!p4 [sflag:s8], $0x2000  }
0x39: {  	s4 =	simm.s32 @!p4 $0x80;
	s9 =	simm.s32 @!p4 $0xD010;
	[sflag:s8] =	ssyncset.done @!p4 $0x0  }
0x3a: {  	p3 =	sgt.u32 @!p2 s24, $0x4C;
	[sflag:s8] =	ssyncadd.s32 @!p4 $0xFFFFE000;
	s8 =	simm.s32 @!p2 $0x2  }
0x3b: {  	[tilespmem:s9], [sflag:$0x4] =	stream.indirect.gather @!p4 [hbm4b:s11+s4], $0x40, s25, s4, $0xb8;
	[tilespmem:$0x18E10] =	vst v63  }
0x3c: {  	p1 =	por @!p0 p3, p1;
	_ =	swait.ge @!p2 [sflag:s8], $0x2000  }
0x3d: {  	p0 =	por p1, p0;
	s4 =	simm.s32 @!p2 $0x9010;
	[sflag:s8] =	ssyncset.done @!p2 $0x0  }
0x3e: {  	s9 =	simm.s32 @!p2 $0x80;
	[sflag:s8] =	ssyncadd.s32 @!p2 $0xFFFFE000;
	s8 =	simm.s32 @!p0 $0x5  }
0x3f: {  	[spmem:s2] =	stream.indirect.scatter.add.f32 @!p2 [tilespmem:s4], [sflag:$0x6], $0x40, s21, s9, $0xb8;
	[tilespmem:$0x18E10] =	vst v63  }
0x40: {  	_ =	swait.ge @!p0 [sflag:s8], $0x2000  }
0x41: {  	s26 =	simm.s32 $0x5;
	[sflag:s8] =	ssyncset.done @!p0 $0x0  }
0x42: {  	s4 =	simm.s32 @!p0 $0x7010;
	s9 =	simm.s32 @!p0 $0x80;
	[sflag:s8] =	ssyncadd.s32 @!p0 $0xFFFFE000  }
0x43: {  	[tilespmem:s4], [sflag:$0x1] =	stream.indirect.gather @!p0 [hbm4b:s11+s9], $0x40, s25, s9, $0xb8;
	[tilespmem:$0x18E10] =	vst v63  }
0x44: {  	_ =	swait.ge [sflag:s26], $0x2000  }
0x45: {  	[sflag:s26] =	ssyncset.done $0x0  }
0x46: {  	[sflag:s26] =	ssyncadd.s32 $0xFFFFE000  }
0x47: {  	_ =	swait.ge [sflag:s1], $0x2000  }
0x48: {  	[sflag:s1] =	ssyncset.done $0x0  }
0x49: {  	[sflag:s1] =	ssyncadd.s32 $0xFFFFE000  }
0x4a: {  	_ =	swait.ge [sflag:s0], $0x2000  }
0x4b: {  	[sflag:s0] =	ssyncset.done $0x0  }
0x4c: {  	s23 =	smov.u32 s31;
	[sflag:s0] =	ssyncadd.s32 $0xFFFFE000  }
0x4d: {  	s13 =	simm.s32 $0x0;
	s16 =	smov.u32 s6;
	_ =	swait.ge [sflag:s22], $0x2000  }
0x4e: {  	s29 =	simm.s32 $0x9010;
	s28 =	simm.s32 $0x90;
	s4 =	rddreg [dreg:$0x6]  }
0x4f: {  	s30 =	simm.s32 $0x110;
	s10 =	simm.s32 $0x2810;
	s12 =	rddreg [dreg:$0x3]  }
0x50: {  	s21 =	simm.s32 $0x1;
	[sflag:s22] =	ssyncset.done $0x0;
	s9 =	rddreg [dreg:$0x5]  }
0x51: {  	s25 =	simm.s32 $0x7010;
	s6 =	rddreg [dreg:$0x7];
	[sflag:s22] =	ssyncadd.s32 $0xFFFFE000  }
.LBB2_10:
0x52: {  	s7 =	sadd.s32 $0x1, s7  }
0x53: {  	p0 =	sne.s32 s7, s6  }
.Ltmp1:
0x54: {  	[bflag:$0x0] =	sbarrier.arrive $0xFFFF;
	(pc) =	sbr.rel @!p0 .LBB2_11-.Ltmp1, $4  }
0x55: {  	[hbm:s4@s15], [sflag:s18] =	dma.strided [spmem:s19@s22], $0x13C0, s21, $0x8   }
0x56: {  	_ =	swait.ge [sflag:s14], $0x13C0  }
0x57: {  	[sflag:s14] =	ssyncset.done $0x0  }
0x58: {  	[sflag:s14] =	ssyncadd.s32 $0xFFFFEC40  }
.LBB2_1:
0x59: {  	[tilespmem:s13], [sflag:$0x9] =	stream.linear.gather [hbm4b:s12+s13], $0x10, $0x38;
	[tilespmem:$0x18E10] =	vst v63  }
0x5a: {  	_ =	swait.ge [sflag:s14], $0x10  }
0x5b: {  	[sflag:s14] =	ssyncset.done $0x0  }
0x5c: {  	[sflag:s14] =	ssyncadd.s32 $0xFFFFFFF0  }
0x5d: {  	[tilespmem:s15], [sflag:$0x9] =	stream.linear.gather [hbm4b:s9+s13], $0x2800, $0x38;
	[tilespmem:$0x18E10] =	vst v63  }
0x5e: {  	_ =	swait.ge [sflag:s14], $0x2800  }
0x5f: {  	[sflag:s14] =	ssyncset.done $0x0  }
0x60: {  	[sflag:s14] =	ssyncadd.s32 $0xFFFFD800  }
0x61: {  	[tilespmem:s10], [sflag:$0x9] =	stream.linear.gather [hbm4b:s3+s13], $0x2800, $0x38;
	[tilespmem:$0x18E10] =	vst v63  }
0x62: {  	_ =	swait.ge [sflag:s14], $0x2800  }
0x63: {  	[sflag:s14] =	ssyncset.done $0x0  }
0x64: {  	[sflag:s14] =	ssyncadd.s32 $0xFFFFD800  }
0x65: {  	v0 =	vld [tilespmem:$0x0];
	_ =	sdelay $0x4  }
0x66: {  	(v2sf) =	vpush v0, $0x0;
	_ =	sdelay $0xe  }
0x67: {  	s4 =	spop (v2sf)  }
0x68: {  	p0 =	sne.s32 s4, $0x1  }
.Ltmp2:
0x69: {  	_ = 	snop;
	(pc) =	sbr.rel @p0 .LBB2_5-.Ltmp2, $1  }
0x6a: {  	_ =	sdelay $0x3  }
0x6b: {  	s4 =	simm.s32 $0x0;
	s8 =	rddreg [dreg:$0x4]  }
0x6c: {  	[tilespmem:s17], [sflag:$0x9] =	stream.linear.gather [hbm4b:s8+s4], $0x2000, $0x38;
	[tilespmem:$0x18E10] =	vst v63  }
0x6d: {  	_ =	swait.ge [sflag:s14], $0x2000  }
0x6e: {  	[sflag:s14] =	ssyncset.done $0x0  }
0x6f: {  	[sflag:s14] =	ssyncadd.s32 $0xFFFFE000  }
0x70: {  	[spmem:s19], [sflag:s18] =	dma.local [hbm:s23], $0x13C0  }
0x71: {  	_ =	swait.ge [sflag:s14], $0x13C0  }
0x72: {  	[sflag:s14] =	ssyncset.done $0x0  }
0x73: {  	[sflag:s14] =	ssyncadd.s32 $0xFFFFEC40  }
0x74: {  	s31 =	simm.s32 $0x2810;
	[bflag:$0x0] =	sbarrier.arrive $0xFFFF  }
0x75: {  	[spmem:s2] =	stream.indirect.scatter.add.f32 [tilespmem:s17], [sflag:$0x9], $0x40, s31, s20, $0xb8;
	[tilespmem:$0x18E10] =	vst v63  }
0x76: {  	s4 =	simm.s32 $0x200;
	_ =	swait.ge [sflag:s14], $0x2000  }
.LBB2_3:
0x77: {  	s8 =	sshra.s32 s4, $0x2;
	[sflag:s14] =	ssyncset.done $0x0;
	p0 =	seq.s32 s4, $0x9E00  }
.Ltmp3:
0x78: {  	s8 =	sadd.s32 $0x2810, s8;
	[sflag:s14] =	ssyncadd.s32 $0xFFFFE000;
	(pc) =	sbr.rel @!p0 .LBB2_3-.Ltmp3, $3  }
0x79: {  	[spmem:s2] =	stream.indirect.scatter.add.f32 [tilespmem:s17], [sflag:$0x9], $0x40, s8, s20, $0xb8;
	[tilespmem:$0x18E10] =	vst v63  }
0x7a: {  	s4 =	sadd.s32 $0x200, s4;
	_ =	sdelay $0x1  }
0x7b: {  	_ =	swait.ge [sflag:s14], $0x2000  }
.Ltmp4:
0x7c: {  	(pc) =	sbr.rel .LBB2_10-.Ltmp4, $3  }
0x7d: {  	_ =	sdelay $0x1  }
0x7e: {  	[sflag:s14] =	ssyncset.done $0x0  }
0x7f: {  	s4 =	smov.u32 s16;
	[sflag:s14] =	ssyncadd.s32 $0xFFFFE000  }
.LBB2_5:
0x80: {  	[spmem:s19], [sflag:s18] =	dma.local [hbm:s23], $0x13C0  }
0x81: {  	_ =	swait.ge [sflag:s14], $0x13C0  }
0x82: {  	[sflag:s14] =	ssyncset.done $0x0  }
0x83: {  	[sflag:s14] =	ssyncadd.s32 $0xFFFFEC40  }
0x84: {  	[bflag:$0x0] =	sbarrier.arrive $0xFFFF  }
0x85: {  	[tilespmem:s25], [sflag:$0x1] =	stream.indirect.gather [hbm4b:s5+s20], $0x40, s15, s20, $0xb8;
	[tilespmem:$0x18E10] =	vst v63  }
0x86: {  	_ = 	snop  }
0x87: {  	[tilespmem:s29], [sflag:$0x2] =	stream.indirect.gather [hbm4b:s5+s20], $0x40, s28, s20, $0xb8;
	[tilespmem:$0x18E10] =	vst v63  }
0x88: {  	s4 =	simm.s32 $0xB010;
	s12 =	simm.s32 $0x1  }
0x89: {  	[tilespmem:s4], [sflag:$0x3] =	stream.indirect.gather [hbm4b:s5+s20], $0x40, s30, s20, $0xb8;
	[tilespmem:$0x18E10] =	vst v63  }
0x8a: {  	_ =	swait.ge [sflag:s12], $0x2000  }
0x8b: {  	[sflag:s12] =	ssyncset.done $0x0  }
0x8c: {  	s31 =	simm.s32 $0x190;
	[sflag:s12] =	ssyncadd.s32 $0xFFFFE000  }
0x8d: {  	[spmem:s2] =	stream.indirect.scatter.add.f32 [tilespmem:s25], [sflag:$0x5], $0x40, s10, s20, $0xb8;
	[tilespmem:$0x18E10] =	vst v63  }
0x8e: {  	s8 =	simm.s32 $0xD010;
	s21 =	simm.s32 $0x210;
	s24 =	simm.s32 $0x2890  }
0x8f: {  	[tilespmem:s8], [sflag:$0x4] =	stream.indirect.gather [hbm4b:s5+s20], $0x40, s31, s20, $0xb8;
	[tilespmem:$0x18E10] =	vst v63  }
.LBB2_6:
0x90: {  	s4 =	sand.u32 $0x3, s12  }
0x91: {  	p0 =	sgt.s32 s4, $0x1  }
0x92: {  	p1 =	seq.s32 @p0 s4, $0x2  }
0x93: {  	p2 =	por !p1, !p0  }
0x94: {  	s8 =	simm.s32 @!p2 $0x3  }
0x95: {  	_ =	swait.ge @!p2 [sflag:s8], $0x2000  }
0x96: {  	p3 =	sgt.u32 @!p2 s12, $0x4C;
	[sflag:s8] =	ssyncset.done @!p2 $0x0  }
0x97: {  	s9 =	simm.s32 @!p2 $0xB010;
	[sflag:s8] =	ssyncadd.s32 @!p2 $0xFFFFE000;
	s8 =	simm.s32 @!p2 $0x80  }
0x98: {  	[spmem:s2] =	stream.indirect.scatter.add.f32 @!p2 [tilespmem:s9], [sflag:$0x7], $0x40, s24, s8, $0xb8;
	[tilespmem:$0x18E10] =	vst v63  }
0x99: {  	p2 =	por @p0 p3, !p1  }
0x9a: {  	p2 =	por p2, !p0  }
0x9b: {  	s8 =	simm.s32 @!p2 $0x6  }
0x9c: {  	_ =	swait.ge @!p2 [sflag:s8], $0x2000  }
0x9d: {  	[sflag:s8] =	ssyncset.done @!p2 $0x0  }
0x9e: {  	s9 =	simm.s32 @!p2 $0x9010;
	[sflag:s8] =	ssyncadd.s32 @!p2 $0xFFFFE000;
	s8 =	simm.s32 @!p2 $0x80  }
0x9f: {  	[tilespmem:s9], [sflag:$0x2] =	stream.indirect.gather @!p2 [hbm4b:s5+s8], $0x40, s21, s8, $0xb8;
	[tilespmem:$0x18E10] =	vst v63  }
0xa0: {  	p2 =	por p1, !p0  }
0xa1: {  	s8 =	simm.s32 @!p2 $0x4  }
0xa2: {  	p3 =	sgt.u32 @!p2 s12, $0x4C;
	_ =	swait.ge @!p2 [sflag:s8], $0x2000  }
0xa3: {  	s9 =	simm.s32 @!p2 $0xD010;
	p1 =	por @p0 p3, p1;
	[sflag:s8] =	ssyncset.done @!p2 $0x0  }
0xa4: {  	p1 =	por p1, !p0;
	[sflag:s8] =	ssyncadd.s32 @!p2 $0xFFFFE000;
	s8 =	simm.s32 @!p2 $0x80  }
0xa5: {  	[spmem:s2] =	stream.indirect.scatter.add.f32 @!p2 [tilespmem:s9], [sflag:$0x8], $0x40, s24, s8, $0xb8;
	[tilespmem:$0x18E10] =	vst v63  }
0xa6: {  	s8 =	simm.s32 @!p1 $0x7  }
0xa7: {  	_ =	swait.ge @!p1 [sflag:s8], $0x2000  }
0xa8: {  	[sflag:s8] =	ssyncset.done @!p1 $0x0  }
0xa9: {  	s9 =	simm.s32 @!p1 $0xB010;
	[sflag:s8] =	ssyncadd.s32 @!p1 $0xFFFFE000;
	s8 =	simm.s32 @!p1 $0x80  }
0xaa: {  	[tilespmem:s9], [sflag:$0x3] =	stream.indirect.gather @!p1 [hbm4b:s5+s8], $0x40, s21, s8, $0xb8;
	[tilespmem:$0x18E10] =	vst v63  }
0xab: {  	p1 =	seq.s32 @!p0 s4, $0x0  }
0xac: {  	p2 =	por !p1, p0  }
0xad: {  	s4 =	simm.s32 @!p2 $0x1  }
0xae: {  	_ =	swait.ge @!p2 [sflag:s4], $0x2000  }
0xaf: {  	p3 =	sgt.u32 @!p2 s12, $0x4C;
	[sflag:s4] =	ssyncset.done @!p2 $0x0  }
0xb0: {  	s8 =	simm.s32 @!p2 $0x7010;
	[sflag:s4] =	ssyncadd.s32 @!p2 $0xFFFFE000;
	s4 =	simm.s32 @!p2 $0x80  }
0xb1: {  	[spmem:s2] =	stream.indirect.scatter.add.f32 @!p2 [tilespmem:s8], [sflag:$0x5], $0x40, s24, s4, $0xb8;
	[tilespmem:$0x18E10] =	vst v63  }
0xb2: {  	p2 =	por @!p0 p3, !p1  }
0xb3: {  	p2 =	por p2, p0  }
0xb4: {  	s4 =	simm.s32 @!p2 $0x8  }
0xb5: {  	_ =	swait.ge @!p2 [sflag:s4], $0x2000  }
0xb6: {  	[sflag:s4] =	ssyncset.done @!p2 $0x0  }
0xb7: {  	s8 =	simm.s32 @!p2 $0xD010;
	[sflag:s4] =	ssyncadd.s32 @!p2 $0xFFFFE000;
	s4 =	simm.s32 @!p2 $0x80  }
0xb8: {  	[tilespmem:s8], [sflag:$0x4] =	stream.indirect.gather @!p2 [hbm4b:s5+s4], $0x40, s21, s4, $0xb8;
	[tilespmem:$0x18E10] =	vst v63  }
0xb9: {  	p2 =	por p1, p0  }
0xba: {  	s4 =	simm.s32 @!p2 $0x2  }
0xbb: {  	p3 =	sgt.u32 @!p2 s12, $0x4C;
	_ =	swait.ge @!p2 [sflag:s4], $0x2000  }
0xbc: {  	s8 =	simm.s32 @!p2 $0x9010;
	p1 =	por @!p0 p3, p1;
	[sflag:s4] =	ssyncset.done @!p2 $0x0  }
0xbd: {  	p0 =	por p1, p0;
	[sflag:s4] =	ssyncadd.s32 @!p2 $0xFFFFE000;
	s4 =	simm.s32 @!p2 $0x80  }
0xbe: {  	[spmem:s2] =	stream.indirect.scatter.add.f32 @!p2 [tilespmem:s8], [sflag:$0x6], $0x40, s24, s4, $0xb8;
	[tilespmem:$0x18E10] =	vst v63  }
0xbf: {  	s4 =	simm.s32 @!p0 $0x5  }
0xc0: {  	_ =	swait.ge @!p0 [sflag:s4], $0x2000  }
0xc1: {  	s12 =	sadd.s32 $0x1, s12;
	[sflag:s4] =	ssyncset.done @!p0 $0x0  }
0xc2: {  	s8 =	simm.s32 @!p0 $0x7010;
	[sflag:s4] =	ssyncadd.s32 @!p0 $0xFFFFE000;
	s4 =	simm.s32 @!p0 $0x80  }
0xc3: {  	[tilespmem:s8], [sflag:$0x1] =	stream.indirect.gather @!p0 [hbm4b:s5+s4], $0x40, s21, s4, $0xb8;
	[tilespmem:$0x18E10] =	vst v63  }
0xc4: {  	p0 =	sne.s32 s12, $0x50  }
.Ltmp5:
0xc5: {  	_ = 	snop;
	(pc) =	sbr.rel @p0 .LBB2_6-.Ltmp5, $2  }
0xc6: {  	_ =	sdelay $0x2  }
0xc7: {  	s24 =	sadd.s32 $0x80, s24;
	s21 =	sadd.s32 $0x80, s21  }
0xc8: {  	_ =	swait.ge [sflag:s26], $0x2000  }
0xc9: {  	[sflag:s26] =	ssyncset.done $0x0  }
0xca: {  	[sflag:s26] =	ssyncadd.s32 $0xFFFFE000  }
0xcb: {  	_ =	swait.ge [sflag:s1], $0x2000  }
0xcc: {  	[sflag:s1] =	ssyncset.done $0x0  }
0xcd: {  	[sflag:s1] =	ssyncadd.s32 $0xFFFFE000  }
0xce: {  	_ =	swait.ge [sflag:s0], $0x2000  }
0xcf: {  	[sflag:s0] =	ssyncset.done $0x0  }
0xd0: {  	[sflag:s0] =	ssyncadd.s32 $0xFFFFE000  }
0xd1: {  	_ =	swait.ge [sflag:s22], $0x2000  }
0xd2: {  	[sflag:s22] =	ssyncset.done $0x0  }
0xd3: {  	[sflag:s22] =	ssyncadd.s32 $0xFFFFE000  }
0xd4: {  	s26 =	simm.s32 $0x1;
	[bflag:$0x0] =	sbarrier.arrive $0xFFFF  }
0xd5: {  	[hbm:s16@s15], [sflag:s18] =	dma.strided [spmem:s19@s22], $0x13C0, s26, $0x8   }
0xd6: {  	_ =	swait.ge [sflag:s14], $0x13C0  }
0xd7: {  	[sflag:s14] =	ssyncset.done $0x0  }
0xd8: {  	[sflag:s14] =	ssyncadd.s32 $0xFFFFEC40  }
0xd9: {  	[spmem:s19], [sflag:s18] =	dma.local [hbm:s23], $0x13C0  }
0xda: {  	_ =	swait.ge [sflag:s14], $0x13C0  }
0xdb: {  	[sflag:s14] =	ssyncset.done $0x0  }
0xdc: {  	[sflag:s14] =	ssyncadd.s32 $0xFFFFEC40  }
0xdd: {  	[bflag:$0x0] =	sbarrier.arrive $0xFFFF  }
0xde: {  	[tilespmem:s25], [sflag:$0x1] =	stream.indirect.gather [hbm4b:s11+s20], $0x40, s15, s20, $0xb8;
	[tilespmem:$0x18E10] =	vst v63  }
0xdf: {  	s6 =	smov.u32 s16;
	s31 =	smov.u32 s23  }
0xe0: {  	[tilespmem:s29], [sflag:$0x2] =	stream.indirect.gather [hbm4b:s11+s20], $0x40, s28, s20, $0xb8;
	[tilespmem:$0x18E10] =	vst v63  }
0xe1: {  	s4 =	simm.s32 $0xB010;
	s8 =	simm.s32 $0xD010;
	s24 =	simm.s32 $0x2  }
0xe2: {  	[tilespmem:s4], [sflag:$0x3] =	stream.indirect.gather [hbm4b:s11+s20], $0x40, s30, s20, $0xb8;
	[tilespmem:$0x18E10] =	vst v63  }
0xe3: {  	s12 =	simm.s32 $0x3;
	s4 =	sand.u32 $0x3, s26;
	_ =	swait.ge [sflag:s26], $0x2000  }
0xe4: {  	s21 =	simm.s32 $0x2910;
	p0 =	sgt.s32 s4, $0x1;
	[sflag:s26] =	ssyncset.done $0x0  }
0xe5: {  	p1 =	seq.s32 @p0 s4, $0x2;
	p0 =	por p0, p0;
	[sflag:s26] =	ssyncadd.s32 $0xFFFFE000  }
0xe6: {  	[spmem:s2] =	stream.indirect.scatter.add.f32 [tilespmem:s25], [sflag:$0x5], $0x40, s10, s20, $0xb8;
	[tilespmem:$0x18E10] =	vst v63  }
0xe7: {  	s28 =	simm.s32 $0x210;
	p2 =	por !p1, !p0;
	s25 =	simm.s32 $0x190  }
0xe8: {  	[tilespmem:s8], [sflag:$0x4] =	stream.indirect.gather [hbm4b:s11+s20], $0x40, s25, s20, $0xb8;
	[tilespmem:$0x18E10] =	vst v63  }
0xe9: {  	s29 =	simm.s32 $0x2890;
	p3 =	por @!p2 $0x0, $0x0;
	s8 =	simm.s32 @!p2 $0x3  }
0xea: {  	s30 =	sand.u32 $0x3, s24;
	p3 =	por @p0 p3, !p1;
	_ =	swait.ge @!p2 [sflag:s8], $0x2000  }
0xeb: {  	s9 =	simm.s32 @!p2 $0xB010;
	p4 =	por p3, !p0;
	[sflag:s8] =	ssyncset.done @!p2 $0x0  }
0xec: {  	p3 =	por p1, !p0;
	[sflag:s8] =	ssyncadd.s32 @!p2 $0xFFFFE000;
	s8 =	simm.s32 @!p2 $0x80  }
0xed: {  	[spmem:s2] =	stream.indirect.scatter.add.f32 @!p2 [tilespmem:s9], [sflag:$0x7], $0x40, s29, s8, $0xb8;
	[tilespmem:$0x18E10] =	vst v63  }
0xee: {  	s25 =	simm.s32 $0x290;
	s13 =	simm.s32 @!p4 $0x6;
	s8 =	simm.s32 @!p4 $0x9010  }
0xef: {  	s9 =	simm.s32 @!p4 $0x80;
	p2 =	por @!p3 $0x0, $0x0;
	_ =	swait.ge @!p4 [sflag:s13], $0x2000  }
0xf0: {  	p1 =	por @p0 p2, p1;
	p2 =	seq.s32 @!p0 s4, $0x0;
	[sflag:s13] =	ssyncset.done @!p4 $0x0  }
0xf1: {  	p1 =	por p1, !p0;
	[sflag:s13] =	ssyncadd.s32 @!p4 $0xFFFFE000;
	s13 =	simm.s32 @!p3 $0x4  }
0xf2: {  	[tilespmem:s8], [sflag:$0x2] =	stream.indirect.gather @!p4 [hbm4b:s11+s9], $0x40, s28, s9, $0xb8;
	[tilespmem:$0x18E10] =	vst v63  }
0xf3: {  	s4 =	simm.s32 @!p3 $0xD010;
	s16 =	simm.s32 @!p1 $0x80;
	_ =	swait.ge @!p3 [sflag:s13], $0x2000  }
0xf4: {  	s10 =	simm.s32 @!p1 $0xB010;
	s8 =	simm.s32 @!p3 $0x80;
	[sflag:s13] =	ssyncset.done @!p3 $0x0  }
0xf5: {  	p4 =	por !p2, p0;
	[sflag:s13] =	ssyncadd.s32 @!p3 $0xFFFFE000;
	s13 =	simm.s32 @!p1 $0x7  }
0xf6: {  	[spmem:s2] =	stream.indirect.scatter.add.f32 @!p3 [tilespmem:s4], [sflag:$0x8], $0x40, s29, s8, $0xb8;
	[tilespmem:$0x18E10] =	vst v63  }
0xf7: {  	s9 =	simm.s32 @!p4 $0x1;
	p3 =	por @!p4 $0x0, $0x0;
	_ =	swait.ge @!p1 [sflag:s13], $0x2000  }
0xf8: {  	p5 =	por @!p0 p3, !p2;
	p3 =	por p2, p0;
	[sflag:s13] =	ssyncset.done @!p1 $0x0  }
0xf9: {  	p6 =	por p5, p0;
	p5 =	sgt.s32 s30, $0x1;
	[sflag:s13] =	ssyncadd.s32 @!p1 $0xFFFFE000  }
0xfa: {  	[tilespmem:s10], [sflag:$0x3] =	stream.indirect.gather @!p1 [hbm4b:s11+s16], $0x40, s28, s16, $0xb8;
	[tilespmem:$0x18E10] =	vst v63  }
0xfb: {  	s13 =	simm.s32 @!p4 $0x80;
	s8 =	simm.s32 @!p6 $0x8;
	_ =	swait.ge @!p4 [sflag:s9], $0x2000  }
0xfc: {  	s4 =	simm.s32 @!p6 $0x80;
	s16 =	simm.s32 @!p6 $0xD010;
	[sflag:s9] =	ssyncset.done @!p4 $0x0  }
.LBB2_8:
0xfd: {  	[sflag:s9] =	ssyncadd.s32 @!p4 $0xFFFFE000;
	s9 =	simm.s32 @!p4 $0x7010  }
0xfe: {  	p1 =	sgt.u32 @!p3 s26, $0x4C;
	s26 =	smov.u32 s24;
	s24 =	smov.u32 s12  }
0xff: {  	[spmem:s2] =	stream.indirect.scatter.add.f32 @!p4 [tilespmem:s9], [sflag:$0x5], $0x40, s29, s13, $0xb8;
	[tilespmem:$0x18E10] =	vst v63  }
0x100: {  	p4 =	seq.s32 @p5 s30, $0x2;
	p1 =	por @!p0 p1, p2;
	_ =	swait.ge @!p6 [sflag:s8], $0x2000  }
0x101: {  	s12 =	sadd.s32 $0x1, s12;
	p2 =	por p1, p0;
	[sflag:s8] =	ssyncset.done @!p6 $0x0  }
0x102: {  	p1 =	sne.s32 s12, $0x50;
	[sflag:s8] =	ssyncadd.s32 @!p6 $0xFFFFE000;
	s8 =	simm.s32 @!p3 $0x2  }
0x103: {  	[tilespmem:s16], [sflag:$0x4] =	stream.indirect.gather @!p6 [hbm4b:s11+s4], $0x40, s28, s4, $0xb8;
	[tilespmem:$0x18E10] =	vst v63  }
0x104: {  	p0 =	por p5, p5;
	s4 =	simm.s32 @!p3 $0x9010;
	_ =	swait.ge @!p3 [sflag:s8], $0x2000  }
0x105: {  	s9 =	simm.s32 @!p3 $0x80;
	[sflag:s8] =	ssyncset.done @!p3 $0x0  }
0x106: {  	[sflag:s8] =	ssyncadd.s32 @!p3 $0xFFFFE000;
	s8 =	simm.s32 @!p2 $0x5  }
0x107: {  	[spmem:s2] =	stream.indirect.scatter.add.f32 @!p3 [tilespmem:s4], [sflag:$0x6], $0x40, s29, s9, $0xb8;
	[tilespmem:$0x18E10] =	vst v63  }
0x108: {  	s4 =	simm.s32 @!p2 $0x7010;
	s29 =	smov.u32 s21;
	_ =	swait.ge @!p2 [sflag:s8], $0x2000  }
0x109: {  	p3 =	por !p4, !p0;
	s9 =	simm.s32 @!p2 $0x80;
	[sflag:s8] =	ssyncset.done @!p2 $0x0  }
0x10a: {  	p5 =	sgt.u32 @!p3 s26, $0x4C;
	s10 =	simm.s32 @!p3 $0x3;
	[sflag:s8] =	ssyncadd.s32 @!p2 $0xFFFFE000  }
0x10b: {  	[tilespmem:s4], [sflag:$0x1] =	stream.indirect.gather @!p2 [hbm4b:s11+s9], $0x40, s28, s9, $0xb8;
	[tilespmem:$0x18E10] =	vst v63  }
0x10c: {  	p2 =	por @p0 p5, !p4;
	s28 =	smov.u32 s25;
	_ =	swait.ge @!p3 [sflag:s10], $0x2000  }
0x10d: {  	s4 =	simm.s32 @!p3 $0xB010;
	p2 =	por p2, !p0;
	[sflag:s10] =	ssyncset.done @!p3 $0x0  }
0x10e: {  	s8 =	simm.s32 @!p3 $0x80;
	s9 =	simm.s32 @!p2 $0x6;
	[sflag:s10] =	ssyncadd.s32 @!p3 $0xFFFFE000  }
0x10f: {  	[spmem:s2] =	stream.indirect.scatter.add.f32 @!p3 [tilespmem:s4], [sflag:$0x7], $0x40, s21, s8, $0xb8;
	[tilespmem:$0x18E10] =	vst v63  }
0x110: {  	s21 =	sadd.s32 $0x80, s21;
	_ =	swait.ge @!p2 [sflag:s9], $0x2000  }
0x111: {  	s4 =	simm.s32 @!p2 $0x9010;
	p3 =	por p4, !p0;
	[sflag:s9] =	ssyncset.done @!p2 $0x0  }
0x112: {  	s8 =	simm.s32 @!p2 $0x80;
	[sflag:s9] =	ssyncadd.s32 @!p2 $0xFFFFE000;
	s9 =	simm.s32 @!p3 $0x4  }
0x113: {  	[tilespmem:s4], [sflag:$0x2] =	stream.indirect.gather @!p2 [hbm4b:s11+s8], $0x40, s25, s8, $0xb8;
	[tilespmem:$0x18E10] =	vst v63  }
0x114: {  	p2 =	sgt.u32 @!p3 s26, $0x4C;
	s25 =	sadd.s32 $0x80, s25;
	_ =	swait.ge @!p3 [sflag:s9], $0x2000  }
0x115: {  	p4 =	por @p0 p2, p4;
	p2 =	seq.s32 @!p0 s30, $0x0;
	[sflag:s9] =	ssyncset.done @!p3 $0x0  }
0x116: {  	s4 =	simm.s32 @!p3 $0xD010;
	p5 =	por p4, !p0;
	[sflag:s9] =	ssyncadd.s32 @!p3 $0xFFFFE000  }
0x117: {  	s8 =	simm.s32 @!p3 $0x80;
	s10 =	simm.s32 @!p5 $0x7;
	s16 =	simm.s32 @!p5 $0x80  }
0x118: {  	s30 =	sand.u32 $0x3, s24;
	p4 =	por !p2, p0;
	s23 =	simm.s32 @!p5 $0xB010  }
0x119: {  	[spmem:s2] =	stream.indirect.scatter.add.f32 @!p3 [tilespmem:s4], [sflag:$0x8], $0x40, s29, s8, $0xb8;
	[tilespmem:$0x18E10] =	vst v63  }
0x11a: {  	p3 =	sgt.u32 @!p4 s26, $0x4C  }
0x11b: {  	s9 =	simm.s32 @!p4 $0x1;
	_ =	swait.ge @!p5 [sflag:s10], $0x2000;
	p6 =	por @!p0 p3, !p2  }
.Ltmp6:
0x11c: {  	p3 =	por p2, p0;
	[sflag:s10] =	ssyncset.done @!p5 $0x0;
	(pc) =	sbr.rel @p1 .LBB2_8-.Ltmp6, $4  }
0x11d: {  	s13 =	simm.s32 @!p4 $0x80;
	p6 =	por p6, p0;
	[sflag:s10] =	ssyncadd.s32 @!p5 $0xFFFFE000  }
0x11e: {  	[tilespmem:s23], [sflag:$0x3] =	stream.indirect.gather @!p5 [hbm4b:s11+s16], $0x40, s28, s16, $0xb8;
	[tilespmem:$0x18E10] =	vst v63  }
0x11f: {  	s8 =	simm.s32 @!p6 $0x8;
	s4 =	simm.s32 @!p6 $0x80;
	_ =	swait.ge @!p4 [sflag:s9], $0x2000  }
0x120: {  	p5 =	sgt.s32 s30, $0x1;
	s16 =	simm.s32 @!p6 $0xD010;
	[sflag:s9] =	ssyncset.done @!p4 $0x0  }
.Ltmp7:
0x121: {  	_ = 	snop;
	(pc) =	sbr.rel .LBB2_9-.Ltmp7, $1  }
0x122: {  	_ =	sdelay $0x3  }
.LBB2_11:
0x123: {  	_ =	sfence.sel $0x180000  }
0x124: {  	[bflag:$0x0] =	sbarrier.arrive $0xFFFF  }
0x125: {  	_ =	strace $0x90000047  }
0x126: {  	s0 =	stileid.u32;
	[bflag:$0x2] =	sbarrier.arrive $0xFFFF  }
0x127: {  	p0 =	sne.s32 s0, $0x0;
	s0 =	rddreg [dreg:$0x2]  }
0x128: {  	s0 =	sadd.s32 @!p0 $0x100000, s0  }
0x129: {  	[sflag:s0] =	ssyncadd.tile.s32 @!p0 $0x1;
	_ =	shalt  }
.Lfunc_end2:
_tile_overlayer_lowered:
.L_overlay_start_2:
0x12a: {  	(tag) =	ssettag $0x2  }
0x12b: {  	s0 =	rddreg [dreg:$0x0];
	s2 =	stileid.u32  }
0x12c: {  	s1 =	rddreg [dreg:$0x1];
	p0 =	sne.s32 s2, $0x0  }
0x12d: {  	s3 =	rddreg [dreg:$0x2];
	[bflag:$0x3] =	sbarrier.arrive $0xFFFF;
	s2 =	simm.s32 @!p0 $0x1C09  }
0x12e: {  	[timem:s3], [sflag:s2] =	dma.local @!p0 [hbm:s0], s1  }
0x12f: {  	s0 =	simm.s32 @!p0 $0x9  }
0x130: {  	_ =	swait.ge @!p0 [sflag:s0], s1  }
0x131: {  	s1 =	ssub.s32 @!p0 $0x0, s1;
	[sflag:s0] =	ssyncset.done @!p0 $0x0  }
0x132: {  	[sflag:s0] =	ssyncadd.s32 @!p0 s1  }
0x133: {  	[bflag:$0x3] =	sbarrier.arrive $0xFFFF  }
0x134: {  	_ =	shalt  }

</sc_bundles>
